<compile_context>
chip_gen: v7x
topology: tpu7x:2x2x1
jax: 0.10.2.dev20260603
libtpu: 0.0.44.dev20260713+nightly
codegen_flags: <defaults>
</compile_context>

<pallas_src>
import functools

import jax
import jax.numpy as jnp
from jax import lax
from jax.experimental import pallas as pl
from jax.experimental.pallas import tpu as pltpu
from jax.experimental.pallas import tpu_sc as plsc

_SIZE_IN = 17
_COLS = [2 ** i for i in range(_SIZE_IN)]
_B = 1024
_W = 100000
_NC = 2
_NS = 16
_NW = _NC * _NS
_ROWS = _B // _NW
_L = 16


_N_ELEMS = _SIZE_IN * _ROWS


def _sc_body(flat_hbm, out_hbm, idx_v, vals_v, sem):
    wid = lax.axis_index("s") * _NC + lax.axis_index("c")
    base_row = wid * _ROWS
    r16 = lax.iota(jnp.int32, 16)
    for i in range(_SIZE_IN):
        for h in range(_ROWS // _L):
            rows = base_row + h * _L + r16
            idx_v[pl.ds((i * (_ROWS // _L) + h) * _L, _L)] = (
                rows * _W + _COLS[i]
            )
    pltpu.async_copy(flat_hbm.at[idx_v], vals_v, sem).wait()
    for k in range(_N_ELEMS // _L):
        v = vals_v[pl.ds(k * _L, _L)]
        vals_v[pl.ds(k * _L, _L)] = v * 12.0 - 6.0
    pltpu.sync_copy(vals_v, out_hbm.at[wid])


def kernel(input_var):
    flat = input_var.reshape(-1)
    mesh = plsc.VectorSubcoreMesh(core_axis_name="c", subcore_axis_name="s")
    out = pl.kernel(
        _sc_body,
        out_type=jax.ShapeDtypeStruct((_NW, _N_ELEMS), jnp.float32),
        mesh=mesh,
        scratch_types=[
            pltpu.VMEM((_N_ELEMS,), jnp.int32),
            pltpu.VMEM((_N_ELEMS,), jnp.float32),
            pltpu.SemaphoreType.DMA,
        ],
    )(flat)
    return (
        out.reshape(_NW, _SIZE_IN, _ROWS)
        .transpose(0, 2, 1)
        .reshape(_B, _SIZE_IN)
    )

# --- scband reference (transcript-rebuilt; emitter-appended) ---
"""Pipeline reference for scband-probs-to-unary-layer-25958782337871 (READ-ONLY COPY).

The authoritative reference and input builder live on the scoring server;
editing this copy changes nothing except your own understanding.
"""

import jax, jax.numpy as jnp
import numpy as np

SIZE_IN = 17

def setup_inputs(seed: int = 0) -> dict:
    key = jax.random.key(seed)
    input_var = jax.random.normal(key, (1024, 100000), dtype=jnp.float32)
    return {"input_var": input_var}

def reference(input_var):
    filt = jnp.array([2 ** i for i in range(SIZE_IN)], dtype=jnp.int32)
    gathered = jnp.take(input_var, filt, axis=1)
    return gathered * 12 - 6

if __name__ == "__main__":
    import jax
    _d = setup_inputs()
    print(jax.jit(kernel)(*tuple(_d.values())))

</pallas_src>

<mosaic_0001>
#map = affine_map<(d0, d1) -> (0)>
#map1 = affine_map<(d0, d1) -> (0, 0)>
module attributes {stable_mosaic.version = 14 : i64} {
  func.func @_sc_body(%arg0: i32, %arg1: i32, %arg2: memref<102400000xf32, #tpu.memory_space<hbm>>, %arg3: memref<32x544xf32, #tpu.memory_space<hbm>>, %arg4: memref<544xi32, #tpu.memory_space<vmem>>, %arg5: memref<544xf32, #tpu.memory_space<vmem>>, %arg6: memref<!tpu.dma_semaphore, #tpu.memory_space<semaphore_mem>>) attributes {dimension_semantics = [#tpu.dimension_semantics<core_parallel>, #tpu.dimension_semantics<subcore_parallel>], iteration_bounds = array<i64: 2, 16>, scalar_prefetch = 0 : i64, scratch_operands = 3 : i64, tpu.core_type = #tpu.core_type<sc_vector_subcore>, window_params = [{transform_indices = #map}, {transform_indices = #map1}]} {
    %mul3A = arith.constant 2 : i32
    %mul3A_0 = arith.muli %arg1, %mul3A : i32
    %add3A = arith.addi %mul3A_0, %arg0 : i32
    %mul3A_1 = arith.constant 32 : i32
    %mul3A_2 = arith.muli %add3A, %mul3A_1 : i32
    %iota3A = tpu.iota {dimensions = array<i32: 0>} : vector<16xi32>
    %add3A_3 = arith.constant 0 : i32
    %add3A_4 = arith.addi %mul3A_2, %add3A_3 : i32
    %add3A_5 = vector.broadcast %add3A_4 : i32 to vector<16xi32>
    %add3A_6 = arith.addi %add3A_5, %iota3A : vector<16xi32>
    %mul3A_7 = arith.constant 100000 : i32
    %mul3A_8 = vector.broadcast %mul3A_7 : i32 to vector<16xi32>
    %mul3A_9 = arith.muli %add3A_6, %mul3A_8 : vector<16xi32>
    %add3A_10 = arith.constant 1 : i32
    %add3A_11 = vector.broadcast %add3A_10 : i32 to vector<16xi32>
    %add3A_12 = arith.addi %mul3A_9, %add3A_11 : vector<16xi32>
    %swap3A = arith.constant 0 : index
    %swap3A_13 = tpu.vector_load %arg4[%swap3A] {strides = array<i32>} : memref<544xi32, #tpu.memory_space<vmem>>, vector<16xi32>,
    %swap3A_14 = vector.shape_cast %swap3A_13 : vector<16xi32> to vector<16xi32>
    %swap3A_15 = vector.shape_cast %add3A_12 : vector<16xi32> to vector<16xi32>
    tpu.vector_store %arg4[%swap3A], %swap3A_15 {strides = array<i32>} : memref<544xi32, #tpu.memory_space<vmem>>, vector<16xi32>,
    %add3A_16 = arith.constant 16 : i32
    %add3A_17 = arith.addi %mul3A_2, %add3A_16 : i32
    %add3A_18 = vector.broadcast %add3A_17 : i32 to vector<16xi32>
    %add3A_19 = arith.addi %add3A_18, %iota3A : vector<16xi32>
    %mul3A_20 = arith.constant 100000 : i32
    %mul3A_21 = vector.broadcast %mul3A_20 : i32 to vector<16xi32>
    %mul3A_22 = arith.muli %add3A_19, %mul3A_21 : vector<16xi32>
    %add3A_23 = arith.constant 1 : i32
    %add3A_24 = vector.broadcast %add3A_23 : i32 to vector<16xi32>
    %add3A_25 = arith.addi %mul3A_22, %add3A_24 : vector<16xi32>
    %swap3A_26 = arith.constant 16 : index
    %swap3A_27 = tpu.vector_load %arg4[%swap3A_26] {strides = array<i32>} : memref<544xi32, #tpu.memory_space<vmem>>, vector<16xi32>,
    %swap3A_28 = vector.shape_cast %swap3A_27 : vector<16xi32> to vector<16xi32>
    %swap3A_29 = vector.shape_cast %add3A_25 : vector<16xi32> to vector<16xi32>
    tpu.vector_store %arg4[%swap3A_26], %swap3A_29 {strides = array<i32>} : memref<544xi32, #tpu.memory_space<vmem>>, vector<16xi32>,
    %add3A_30 = arith.constant 0 : i32
    %add3A_31 = arith.addi %mul3A_2, %add3A_30 : i32
    %add3A_32 = vector.broadcast %add3A_31 : i32 to vector<16xi32>
    %add3A_33 = arith.addi %add3A_32, %iota3A : vector<16xi32>
    %mul3A_34 = arith.constant 100000 : i32
    %mul3A_35 = vector.broadcast %mul3A_34 : i32 to vector<16xi32>
    %mul3A_36 = arith.muli %add3A_33, %mul3A_35 : vector<16xi32>
    %add3A_37 = arith.constant 2 : i32
    %add3A_38 = vector.broadcast %add3A_37 : i32 to vector<16xi32>
    %add3A_39 = arith.addi %mul3A_36, %add3A_38 : vector<16xi32>
    %swap3A_40 = arith.constant 32 : index
    %swap3A_41 = tpu.vector_load %arg4[%swap3A_40] {strides = array<i32>} : memref<544xi32, #tpu.memory_space<vmem>>, vector<16xi32>,
    %swap3A_42 = vector.shape_cast %swap3A_41 : vector<16xi32> to vector<16xi32>
    %swap3A_43 = vector.shape_cast %add3A_39 : vector<16xi32> to vector<16xi32>
    tpu.vector_store %arg4[%swap3A_40], %swap3A_43 {strides = array<i32>} : memref<544xi32, #tpu.memory_space<vmem>>, vector<16xi32>,
    %add3A_44 = arith.constant 16 : i32
    %add3A_45 = arith.addi %mul3A_2, %add3A_44 : i32
    %add3A_46 = vector.broadcast %add3A_45 : i32 to vector<16xi32>
    %add3A_47 = arith.addi %add3A_46, %iota3A : vector<16xi32>
    %mul3A_48 = arith.constant 100000 : i32
    %mul3A_49 = vector.broadcast %mul3A_48 : i32 to vector<16xi32>
    %mul3A_50 = arith.muli %add3A_47, %mul3A_49 : vector<16xi32>
    %add3A_51 = arith.constant 2 : i32
    %add3A_52 = vector.broadcast %add3A_51 : i32 to vector<16xi32>
    %add3A_53 = arith.addi %mul3A_50, %add3A_52 : vector<16xi32>
    %swap3A_54 = arith.constant 48 : index
    %swap3A_55 = tpu.vector_load %arg4[%swap3A_54] {strides = array<i32>} : memref<544xi32, #tpu.memory_space<vmem>>, vector<16xi32>,
    %swap3A_56 = vector.shape_cast %swap3A_55 : vector<16xi32> to vector<16xi32>
    %swap3A_57 = vector.shape_cast %add3A_53 : vector<16xi32> to vector<16xi32>
    tpu.vector_store %arg4[%swap3A_54], %swap3A_57 {strides = array<i32>} : memref<544xi32, #tpu.memory_space<vmem>>, vector<16xi32>,
    %add3A_58 = arith.constant 0 : i32
    %add3A_59 = arith.addi %mul3A_2, %add3A_58 : i32
    %add3A_60 = vector.broadcast %add3A_59 : i32 to vector<16xi32>
    %add3A_61 = arith.addi %add3A_60, %iota3A : vector<16xi32>
    %mul3A_62 = arith.constant 100000 : i32
    %mul3A_63 = vector.broadcast %mul3A_62 : i32 to vector<16xi32>
    %mul3A_64 = arith.muli %add3A_61, %mul3A_63 : vector<16xi32>
    %add3A_65 = arith.constant 4 : i32
    %add3A_66 = vector.broadcast %add3A_65 : i32 to vector<16xi32>
    %add3A_67 = arith.addi %mul3A_64, %add3A_66 : vector<16xi32>
    %swap3A_68 = arith.constant 64 : index
    %swap3A_69 = tpu.vector_load %arg4[%swap3A_68] {strides = array<i32>} : memref<544xi32, #tpu.memory_space<vmem>>, vector<16xi32>,
    %swap3A_70 = vector.shape_cast %swap3A_69 : vector<16xi32> to vector<16xi32>
    %swap3A_71 = vector.shape_cast %add3A_67 : vector<16xi32> to vector<16xi32>
    tpu.vector_store %arg4[%swap3A_68], %swap3A_71 {strides = array<i32>} : memref<544xi32, #tpu.memory_space<vmem>>, vector<16xi32>,
    %add3A_72 = arith.constant 16 : i32
    %add3A_73 = arith.addi %mul3A_2, %add3A_72 : i32
    %add3A_74 = vector.broadcast %add3A_73 : i32 to vector<16xi32>
    %add3A_75 = arith.addi %add3A_74, %iota3A : vector<16xi32>
    %mul3A_76 = arith.constant 100000 : i32
    %mul3A_77 = vector.broadcast %mul3A_76 : i32 to vector<16xi32>
    %mul3A_78 = arith.muli %add3A_75, %mul3A_77 : vector<16xi32>
    %add3A_79 = arith.constant 4 : i32
    %add3A_80 = vector.broadcast %add3A_79 : i32 to vector<16xi32>
    %add3A_81 = arith.addi %mul3A_78, %add3A_80 : vector<16xi32>
    %swap3A_82 = arith.constant 80 : index
    %swap3A_83 = tpu.vector_load %arg4[%swap3A_82] {strides = array<i32>} : memref<544xi32, #tpu.memory_space<vmem>>, vector<16xi32>,
    %swap3A_84 = vector.shape_cast %swap3A_83 : vector<16xi32> to vector<16xi32>
    %swap3A_85 = vector.shape_cast %add3A_81 : vector<16xi32> to vector<16xi32>
    tpu.vector_store %arg4[%swap3A_82], %swap3A_85 {strides = array<i32>} : memref<544xi32, #tpu.memory_space<vmem>>, vector<16xi32>,
    %add3A_86 = arith.constant 0 : i32
    %add3A_87 = arith.addi %mul3A_2, %add3A_86 : i32
    %add3A_88 = vector.broadcast %add3A_87 : i32 to vector<16xi32>
    %add3A_89 = arith.addi %add3A_88, %iota3A : vector<16xi32>
    %mul3A_90 = arith.constant 100000 : i32
    %mul3A_91 = vector.broadcast %mul3A_90 : i32 to vector<16xi32>
    %mul3A_92 = arith.muli %add3A_89, %mul3A_91 : vector<16xi32>
    %add3A_93 = arith.constant 8 : i32
    %add3A_94 = vector.broadcast %add3A_93 : i32 to vector<16xi32>
    %add3A_95 = arith.addi %mul3A_92, %add3A_94 : vector<16xi32>
    %swap3A_96 = arith.constant 96 : index
    %swap3A_97 = tpu.vector_load %arg4[%swap3A_96] {strides = array<i32>} : memref<544xi32, #tpu.memory_space<vmem>>, vector<16xi32>,
    %swap3A_98 = vector.shape_cast %swap3A_97 : vector<16xi32> to vector<16xi32>
    %swap3A_99 = vector.shape_cast %add3A_95 : vector<16xi32> to vector<16xi32>
    tpu.vector_store %arg4[%swap3A_96], %swap3A_99 {strides = array<i32>} : memref<544xi32, #tpu.memory_space<vmem>>, vector<16xi32>,
    %add3A_100 = arith.constant 16 : i32
    %add3A_101 = arith.addi %mul3A_2, %add3A_100 : i32
    %add3A_102 = vector.broadcast %add3A_101 : i32 to vector<16xi32>
    %add3A_103 = arith.addi %add3A_102, %iota3A : vector<16xi32>
    %mul3A_104 = arith.constant 100000 : i32
    %mul3A_105 = vector.broadcast %mul3A_104 : i32 to vector<16xi32>
    %mul3A_106 = arith.muli %add3A_103, %mul3A_105 : vector<16xi32>
    %add3A_107 = arith.constant 8 : i32
    %add3A_108 = vector.broadcast %add3A_107 : i32 to vector<16xi32>
    %add3A_109 = arith.addi %mul3A_106, %add3A_108 : vector<16xi32>
    %swap3A_110 = arith.constant 112 : index
    %swap3A_111 = tpu.vector_load %arg4[%swap3A_110] {strides = array<i32>} : memref<544xi32, #tpu.memory_space<vmem>>, vector<16xi32>,
    %swap3A_112 = vector.shape_cast %swap3A_111 : vector<16xi32> to vector<16xi32>
    %swap3A_113 = vector.shape_cast %add3A_109 : vector<16xi32> to vector<16xi32>
    tpu.vector_store %arg4[%swap3A_110], %swap3A_113 {strides = array<i32>} : memref<544xi32, #tpu.memory_space<vmem>>, vector<16xi32>,
    %add3A_114 = arith.constant 0 : i32
    %add3A_115 = arith.addi %mul3A_2, %add3A_114 : i32
    %add3A_116 = vector.broadcast %add3A_115 : i32 to vector<16xi32>
    %add3A_117 = arith.addi %add3A_116, %iota3A : vector<16xi32>
    %mul3A_118 = arith.constant 100000 : i32
    %mul3A_119 = vector.broadcast %mul3A_118 : i32 to vector<16xi32>
    %mul3A_120 = arith.muli %add3A_117, %mul3A_119 : vector<16xi32>
    %add3A_121 = arith.constant 16 : i32
    %add3A_122 = vector.broadcast %add3A_121 : i32 to vector<16xi32>
    %add3A_123 = arith.addi %mul3A_120, %add3A_122 : vector<16xi32>
    %swap3A_124 = arith.constant 128 : index
    %swap3A_125 = tpu.vector_load %arg4[%swap3A_124] {strides = array<i32>} : memref<544xi32, #tpu.memory_space<vmem>>, vector<16xi32>,
    %swap3A_126 = vector.shape_cast %swap3A_125 : vector<16xi32> to vector<16xi32>
    %swap3A_127 = vector.shape_cast %add3A_123 : vector<16xi32> to vector<16xi32>
    tpu.vector_store %arg4[%swap3A_124], %swap3A_127 {strides = array<i32>} : memref<544xi32, #tpu.memory_space<vmem>>, vector<16xi32>,
    %add3A_128 = arith.constant 16 : i32
    %add3A_129 = arith.addi %mul3A_2, %add3A_128 : i32
    %add3A_130 = vector.broadcast %add3A_129 : i32 to vector<16xi32>
    %add3A_131 = arith.addi %add3A_130, %iota3A : vector<16xi32>
    %mul3A_132 = arith.constant 100000 : i32
    %mul3A_133 = vector.broadcast %mul3A_132 : i32 to vector<16xi32>
    %mul3A_134 = arith.muli %add3A_131, %mul3A_133 : vector<16xi32>
    %add3A_135 = arith.constant 16 : i32
    %add3A_136 = vector.broadcast %add3A_135 : i32 to vector<16xi32>
    %add3A_137 = arith.addi %mul3A_134, %add3A_136 : vector<16xi32>
    %swap3A_138 = arith.constant 144 : index
    %swap3A_139 = tpu.vector_load %arg4[%swap3A_138] {strides = array<i32>} : memref<544xi32, #tpu.memory_space<vmem>>, vector<16xi32>,
    %swap3A_140 = vector.shape_cast %swap3A_139 : vector<16xi32> to vector<16xi32>
    %swap3A_141 = vector.shape_cast %add3A_137 : vector<16xi32> to vector<16xi32>
    tpu.vector_store %arg4[%swap3A_138], %swap3A_141 {strides = array<i32>} : memref<544xi32, #tpu.memory_space<vmem>>, vector<16xi32>,
    %add3A_142 = arith.constant 0 : i32
    %add3A_143 = arith.addi %mul3A_2, %add3A_142 : i32
    %add3A_144 = vector.broadcast %add3A_143 : i32 to vector<16xi32>
    %add3A_145 = arith.addi %add3A_144, %iota3A : vector<16xi32>
    %mul3A_146 = arith.constant 100000 : i32
    %mul3A_147 = vector.broadcast %mul3A_146 : i32 to vector<16xi32>
    %mul3A_148 = arith.muli %add3A_145, %mul3A_147 : vector<16xi32>
    %add3A_149 = arith.constant 32 : i32
    %add3A_150 = vector.broadcast %add3A_149 : i32 to vector<16xi32>
    %add3A_151 = arith.addi %mul3A_148, %add3A_150 : vector<16xi32>
    %swap3A_152 = arith.constant 160 : index
    %swap3A_153 = tpu.vector_load %arg4[%swap3A_152] {strides = array<i32>} : memref<544xi32, #tpu.memory_space<vmem>>, vector<16xi32>,
    %swap3A_154 = vector.shape_cast %swap3A_153 : vector<16xi32> to vector<16xi32>
    %swap3A_155 = vector.shape_cast %add3A_151 : vector<16xi32> to vector<16xi32>
    tpu.vector_store %arg4[%swap3A_152], %swap3A_155 {strides = array<i32>} : memref<544xi32, #tpu.memory_space<vmem>>, vector<16xi32>,
    %add3A_156 = arith.constant 16 : i32
    %add3A_157 = arith.addi %mul3A_2, %add3A_156 : i32
    %add3A_158 = vector.broadcast %add3A_157 : i32 to vector<16xi32>
    %add3A_159 = arith.addi %add3A_158, %iota3A : vector<16xi32>
    %mul3A_160 = arith.constant 100000 : i32
    %mul3A_161 = vector.broadcast %mul3A_160 : i32 to vector<16xi32>
    %mul3A_162 = arith.muli %add3A_159, %mul3A_161 : vector<16xi32>
    %add3A_163 = arith.constant 32 : i32
    %add3A_164 = vector.broadcast %add3A_163 : i32 to vector<16xi32>
    %add3A_165 = arith.addi %mul3A_162, %add3A_164 : vector<16xi32>
    %swap3A_166 = arith.constant 176 : index
    %swap3A_167 = tpu.vector_load %arg4[%swap3A_166] {strides = array<i32>} : memref<544xi32, #tpu.memory_space<vmem>>, vector<16xi32>,
    %swap3A_168 = vector.shape_cast %swap3A_167 : vector<16xi32> to vector<16xi32>
    %swap3A_169 = vector.shape_cast %add3A_165 : vector<16xi32> to vector<16xi32>
    tpu.vector_store %arg4[%swap3A_166], %swap3A_169 {strides = array<i32>} : memref<544xi32, #tpu.memory_space<vmem>>, vector<16xi32>,
    %add3A_170 = arith.constant 0 : i32
    %add3A_171 = arith.addi %mul3A_2, %add3A_170 : i32
    %add3A_172 = vector.broadcast %add3A_171 : i32 to vector<16xi32>
    %add3A_173 = arith.addi %add3A_172, %iota3A : vector<16xi32>
    %mul3A_174 = arith.constant 100000 : i32
    %mul3A_175 = vector.broadcast %mul3A_174 : i32 to vector<16xi32>
    %mul3A_176 = arith.muli %add3A_173, %mul3A_175 : vector<16xi32>
    %add3A_177 = arith.constant 64 : i32
    %add3A_178 = vector.broadcast %add3A_177 : i32 to vector<16xi32>
    %add3A_179 = arith.addi %mul3A_176, %add3A_178 : vector<16xi32>
    %swap3A_180 = arith.constant 192 : index
    %swap3A_181 = tpu.vector_load %arg4[%swap3A_180] {strides = array<i32>} : memref<544xi32, #tpu.memory_space<vmem>>, vector<16xi32>,
    %swap3A_182 = vector.shape_cast %swap3A_181 : vector<16xi32> to vector<16xi32>
    %swap3A_183 = vector.shape_cast %add3A_179 : vector<16xi32> to vector<16xi32>
    tpu.vector_store %arg4[%swap3A_180], %swap3A_183 {strides = array<i32>} : memref<544xi32, #tpu.memory_space<vmem>>, vector<16xi32>,
    %add3A_184 = arith.constant 16 : i32
    %add3A_185 = arith.addi %mul3A_2, %add3A_184 : i32
    %add3A_186 = vector.broadcast %add3A_185 : i32 to vector<16xi32>
    %add3A_187 = arith.addi %add3A_186, %iota3A : vector<16xi32>
    %mul3A_188 = arith.constant 100000 : i32
    %mul3A_189 = vector.broadcast %mul3A_188 : i32 to vector<16xi32>
    %mul3A_190 = arith.muli %add3A_187, %mul3A_189 : vector<16xi32>
    %add3A_191 = arith.constant 64 : i32
    %add3A_192 = vector.broadcast %add3A_191 : i32 to vector<16xi32>
    %add3A_193 = arith.addi %mul3A_190, %add3A_192 : vector<16xi32>
    %swap3A_194 = arith.constant 208 : index
    %swap3A_195 = tpu.vector_load %arg4[%swap3A_194] {strides = array<i32>} : memref<544xi32, #tpu.memory_space<vmem>>, vector<16xi32>,
    %swap3A_196 = vector.shape_cast %swap3A_195 : vector<16xi32> to vector<16xi32>
    %swap3A_197 = vector.shape_cast %add3A_193 : vector<16xi32> to vector<16xi32>
    tpu.vector_store %arg4[%swap3A_194], %swap3A_197 {strides = array<i32>} : memref<544xi32, #tpu.memory_space<vmem>>, vector<16xi32>,
    %add3A_198 = arith.constant 0 : i32
    %add3A_199 = arith.addi %mul3A_2, %add3A_198 : i32
    %add3A_200 = vector.broadcast %add3A_199 : i32 to vector<16xi32>
    %add3A_201 = arith.addi %add3A_200, %iota3A : vector<16xi32>
    %mul3A_202 = arith.constant 100000 : i32
    %mul3A_203 = vector.broadcast %mul3A_202 : i32 to vector<16xi32>
    %mul3A_204 = arith.muli %add3A_201, %mul3A_203 : vector<16xi32>
    %add3A_205 = arith.constant 128 : i32
    %add3A_206 = vector.broadcast %add3A_205 : i32 to vector<16xi32>
    %add3A_207 = arith.addi %mul3A_204, %add3A_206 : vector<16xi32>
    %swap3A_208 = arith.constant 224 : index
    %swap3A_209 = tpu.vector_load %arg4[%swap3A_208] {strides = array<i32>} : memref<544xi32, #tpu.memory_space<vmem>>, vector<16xi32>,
    %swap3A_210 = vector.shape_cast %swap3A_209 : vector<16xi32> to vector<16xi32>
    %swap3A_211 = vector.shape_cast %add3A_207 : vector<16xi32> to vector<16xi32>
    tpu.vector_store %arg4[%swap3A_208], %swap3A_211 {strides = array<i32>} : memref<544xi32, #tpu.memory_space<vmem>>, vector<16xi32>,
    %add3A_212 = arith.constant 16 : i32
    %add3A_213 = arith.addi %mul3A_2, %add3A_212 : i32
    %add3A_214 = vector.broadcast %add3A_213 : i32 to vector<16xi32>
    %add3A_215 = arith.addi %add3A_214, %iota3A : vector<16xi32>
    %mul3A_216 = arith.constant 100000 : i32
    %mul3A_217 = vector.broadcast %mul3A_216 : i32 to vector<16xi32>
    %mul3A_218 = arith.muli %add3A_215, %mul3A_217 : vector<16xi32>
    %add3A_219 = arith.constant 128 : i32
    %add3A_220 = vector.broadcast %add3A_219 : i32 to vector<16xi32>
    %add3A_221 = arith.addi %mul3A_218, %add3A_220 : vector<16xi32>
    %swap3A_222 = arith.constant 240 : index
    %swap3A_223 = tpu.vector_load %arg4[%swap3A_222] {strides = array<i32>} : memref<544xi32, #tpu.memory_space<vmem>>, vector<16xi32>,
    %swap3A_224 = vector.shape_cast %swap3A_223 : vector<16xi32> to vector<16xi32>
    %swap3A_225 = vector.shape_cast %add3A_221 : vector<16xi32> to vector<16xi32>
    tpu.vector_store %arg4[%swap3A_222], %swap3A_225 {strides = array<i32>} : memref<544xi32, #tpu.memory_space<vmem>>, vector<16xi32>,
    %add3A_226 = arith.constant 0 : i32
    %add3A_227 = arith.addi %mul3A_2, %add3A_226 : i32
    %add3A_228 = vector.broadcast %add3A_227 : i32 to vector<16xi32>
    %add3A_229 = arith.addi %add3A_228, %iota3A : vector<16xi32>
    %mul3A_230 = arith.constant 100000 : i32
    %mul3A_231 = vector.broadcast %mul3A_230 : i32 to vector<16xi32>
    %mul3A_232 = arith.muli %add3A_229, %mul3A_231 : vector<16xi32>
    %add3A_233 = arith.constant 256 : i32
    %add3A_234 = vector.broadcast %add3A_233 : i32 to vector<16xi32>
    %add3A_235 = arith.addi %mul3A_232, %add3A_234 : vector<16xi32>
    %swap3A_236 = arith.constant 256 : index
    %swap3A_237 = tpu.vector_load %arg4[%swap3A_236] {strides = array<i32>} : memref<544xi32, #tpu.memory_space<vmem>>, vector<16xi32>,
    %swap3A_238 = vector.shape_cast %swap3A_237 : vector<16xi32> to vector<16xi32>
    %swap3A_239 = vector.shape_cast %add3A_235 : vector<16xi32> to vector<16xi32>
    tpu.vector_store %arg4[%swap3A_236], %swap3A_239 {strides = array<i32>} : memref<544xi32, #tpu.memory_space<vmem>>, vector<16xi32>,
    %add3A_240 = arith.constant 16 : i32
    %add3A_241 = arith.addi %mul3A_2, %add3A_240 : i32
    %add3A_242 = vector.broadcast %add3A_241 : i32 to vector<16xi32>
    %add3A_243 = arith.addi %add3A_242, %iota3A : vector<16xi32>
    %mul3A_244 = arith.constant 100000 : i32
    %mul3A_245 = vector.broadcast %mul3A_244 : i32 to vector<16xi32>
    %mul3A_246 = arith.muli %add3A_243, %mul3A_245 : vector<16xi32>
    %add3A_247 = arith.constant 256 : i32
    %add3A_248 = vector.broadcast %add3A_247 : i32 to vector<16xi32>
    %add3A_249 = arith.addi %mul3A_246, %add3A_248 : vector<16xi32>
    %swap3A_250 = arith.constant 272 : index
    %swap3A_251 = tpu.vector_load %arg4[%swap3A_250] {strides = array<i32>} : memref<544xi32, #tpu.memory_space<vmem>>, vector<16xi32>,
    %swap3A_252 = vector.shape_cast %swap3A_251 : vector<16xi32> to vector<16xi32>
    %swap3A_253 = vector.shape_cast %add3A_249 : vector<16xi32> to vector<16xi32>
    tpu.vector_store %arg4[%swap3A_250], %swap3A_253 {strides = array<i32>} : memref<544xi32, #tpu.memory_space<vmem>>, vector<16xi32>,
    %add3A_254 = arith.constant 0 : i32
    %add3A_255 = arith.addi %mul3A_2, %add3A_254 : i32
    %add3A_256 = vector.broadcast %add3A_255 : i32 to vector<16xi32>
    %add3A_257 = arith.addi %add3A_256, %iota3A : vector<16xi32>
    %mul3A_258 = arith.constant 100000 : i32
    %mul3A_259 = vector.broadcast %mul3A_258 : i32 to vector<16xi32>
    %mul3A_260 = arith.muli %add3A_257, %mul3A_259 : vector<16xi32>
    %add3A_261 = arith.constant 512 : i32
    %add3A_262 = vector.broadcast %add3A_261 : i32 to vector<16xi32>
    %add3A_263 = arith.addi %mul3A_260, %add3A_262 : vector<16xi32>
    %swap3A_264 = arith.constant 288 : index
    %swap3A_265 = tpu.vector_load %arg4[%swap3A_264] {strides = array<i32>} : memref<544xi32, #tpu.memory_space<vmem>>, vector<16xi32>,
    %swap3A_266 = vector.shape_cast %swap3A_265 : vector<16xi32> to vector<16xi32>
    %swap3A_267 = vector.shape_cast %add3A_263 : vector<16xi32> to vector<16xi32>
    tpu.vector_store %arg4[%swap3A_264], %swap3A_267 {strides = array<i32>} : memref<544xi32, #tpu.memory_space<vmem>>, vector<16xi32>,
    %add3A_268 = arith.constant 16 : i32
    %add3A_269 = arith.addi %mul3A_2, %add3A_268 : i32
    %add3A_270 = vector.broadcast %add3A_269 : i32 to vector<16xi32>
    %add3A_271 = arith.addi %add3A_270, %iota3A : vector<16xi32>
    %mul3A_272 = arith.constant 100000 : i32
    %mul3A_273 = vector.broadcast %mul3A_272 : i32 to vector<16xi32>
    %mul3A_274 = arith.muli %add3A_271, %mul3A_273 : vector<16xi32>
    %add3A_275 = arith.constant 512 : i32
    %add3A_276 = vector.broadcast %add3A_275 : i32 to vector<16xi32>
    %add3A_277 = arith.addi %mul3A_274, %add3A_276 : vector<16xi32>
    %swap3A_278 = arith.constant 304 : index
    %swap3A_279 = tpu.vector_load %arg4[%swap3A_278] {strides = array<i32>} : memref<544xi32, #tpu.memory_space<vmem>>, vector<16xi32>,
    %swap3A_280 = vector.shape_cast %swap3A_279 : vector<16xi32> to vector<16xi32>
    %swap3A_281 = vector.shape_cast %add3A_277 : vector<16xi32> to vector<16xi32>
    tpu.vector_store %arg4[%swap3A_278], %swap3A_281 {strides = array<i32>} : memref<544xi32, #tpu.memory_space<vmem>>, vector<16xi32>,
    %add3A_282 = arith.constant 0 : i32
    %add3A_283 = arith.addi %mul3A_2, %add3A_282 : i32
    %add3A_284 = vector.broadcast %add3A_283 : i32 to vector<16xi32>
    %add3A_285 = arith.addi %add3A_284, %iota3A : vector<16xi32>
    %mul3A_286 = arith.constant 100000 : i32
    %mul3A_287 = vector.broadcast %mul3A_286 : i32 to vector<16xi32>
    %mul3A_288 = arith.muli %add3A_285, %mul3A_287 : vector<16xi32>
    %add3A_289 = arith.constant 1024 : i32
    %add3A_290 = vector.broadcast %add3A_289 : i32 to vector<16xi32>
    %add3A_291 = arith.addi %mul3A_288, %add3A_290 : vector<16xi32>
    %swap3A_292 = arith.constant 320 : index
    %swap3A_293 = tpu.vector_load %arg4[%swap3A_292] {strides = array<i32>} : memref<544xi32, #tpu.memory_space<vmem>>, vector<16xi32>,
    %swap3A_294 = vector.shape_cast %swap3A_293 : vector<16xi32> to vector<16xi32>
    %swap3A_295 = vector.shape_cast %add3A_291 : vector<16xi32> to vector<16xi32>
    tpu.vector_store %arg4[%swap3A_292], %swap3A_295 {strides = array<i32>} : memref<544xi32, #tpu.memory_space<vmem>>, vector<16xi32>,
    %add3A_296 = arith.constant 16 : i32
    %add3A_297 = arith.addi %mul3A_2, %add3A_296 : i32
    %add3A_298 = vector.broadcast %add3A_297 : i32 to vector<16xi32>
    %add3A_299 = arith.addi %add3A_298, %iota3A : vector<16xi32>
    %mul3A_300 = arith.constant 100000 : i32
    %mul3A_301 = vector.broadcast %mul3A_300 : i32 to vector<16xi32>
    %mul3A_302 = arith.muli %add3A_299, %mul3A_301 : vector<16xi32>
    %add3A_303 = arith.constant 1024 : i32
    %add3A_304 = vector.broadcast %add3A_303 : i32 to vector<16xi32>
    %add3A_305 = arith.addi %mul3A_302, %add3A_304 : vector<16xi32>
    %swap3A_306 = arith.constant 336 : index
    %swap3A_307 = tpu.vector_load %arg4[%swap3A_306] {strides = array<i32>} : memref<544xi32, #tpu.memory_space<vmem>>, vector<16xi32>,
    %swap3A_308 = vector.shape_cast %swap3A_307 : vector<16xi32> to vector<16xi32>
    %swap3A_309 = vector.shape_cast %add3A_305 : vector<16xi32> to vector<16xi32>
    tpu.vector_store %arg4[%swap3A_306], %swap3A_309 {strides = array<i32>} : memref<544xi32, #tpu.memory_space<vmem>>, vector<16xi32>,
    %add3A_310 = arith.constant 0 : i32
    %add3A_311 = arith.addi %mul3A_2, %add3A_310 : i32
    %add3A_312 = vector.broadcast %add3A_311 : i32 to vector<16xi32>
    %add3A_313 = arith.addi %add3A_312, %iota3A : vector<16xi32>
    %mul3A_314 = arith.constant 100000 : i32
    %mul3A_315 = vector.broadcast %mul3A_314 : i32 to vector<16xi32>
    %mul3A_316 = arith.muli %add3A_313, %mul3A_315 : vector<16xi32>
    %add3A_317 = arith.constant 2048 : i32
    %add3A_318 = vector.broadcast %add3A_317 : i32 to vector<16xi32>
    %add3A_319 = arith.addi %mul3A_316, %add3A_318 : vector<16xi32>
    %swap3A_320 = arith.constant 352 : index
    %swap3A_321 = tpu.vector_load %arg4[%swap3A_320] {strides = array<i32>} : memref<544xi32, #tpu.memory_space<vmem>>, vector<16xi32>,
    %swap3A_322 = vector.shape_cast %swap3A_321 : vector<16xi32> to vector<16xi32>
    %swap3A_323 = vector.shape_cast %add3A_319 : vector<16xi32> to vector<16xi32>
    tpu.vector_store %arg4[%swap3A_320], %swap3A_323 {strides = array<i32>} : memref<544xi32, #tpu.memory_space<vmem>>, vector<16xi32>,
    %add3A_324 = arith.constant 16 : i32
    %add3A_325 = arith.addi %mul3A_2, %add3A_324 : i32
    %add3A_326 = vector.broadcast %add3A_325 : i32 to vector<16xi32>
    %add3A_327 = arith.addi %add3A_326, %iota3A : vector<16xi32>
    %mul3A_328 = arith.constant 100000 : i32
    %mul3A_329 = vector.broadcast %mul3A_328 : i32 to vector<16xi32>
    %mul3A_330 = arith.muli %add3A_327, %mul3A_329 : vector<16xi32>
    %add3A_331 = arith.constant 2048 : i32
    %add3A_332 = vector.broadcast %add3A_331 : i32 to vector<16xi32>
    %add3A_333 = arith.addi %mul3A_330, %add3A_332 : vector<16xi32>
    %swap3A_334 = arith.constant 368 : index
    %swap3A_335 = tpu.vector_load %arg4[%swap3A_334] {strides = array<i32>} : memref<544xi32, #tpu.memory_space<vmem>>, vector<16xi32>,
    %swap3A_336 = vector.shape_cast %swap3A_335 : vector<16xi32> to vector<16xi32>
    %swap3A_337 = vector.shape_cast %add3A_333 : vector<16xi32> to vector<16xi32>
    tpu.vector_store %arg4[%swap3A_334], %swap3A_337 {strides = array<i32>} : memref<544xi32, #tpu.memory_space<vmem>>, vector<16xi32>,
    %add3A_338 = arith.constant 0 : i32
    %add3A_339 = arith.addi %mul3A_2, %add3A_338 : i32
    %add3A_340 = vector.broadcast %add3A_339 : i32 to vector<16xi32>
    %add3A_341 = arith.addi %add3A_340, %iota3A : vector<16xi32>
    %mul3A_342 = arith.constant 100000 : i32
    %mul3A_343 = vector.broadcast %mul3A_342 : i32 to vector<16xi32>
    %mul3A_344 = arith.muli %add3A_341, %mul3A_343 : vector<16xi32>
    %add3A_345 = arith.constant 4096 : i32
    %add3A_346 = vector.broadcast %add3A_345 : i32 to vector<16xi32>
    %add3A_347 = arith.addi %mul3A_344, %add3A_346 : vector<16xi32>
    %swap3A_348 = arith.constant 384 : index
    %swap3A_349 = tpu.vector_load %arg4[%swap3A_348] {strides = array<i32>} : memref<544xi32, #tpu.memory_space<vmem>>, vector<16xi32>,
    %swap3A_350 = vector.shape_cast %swap3A_349 : vector<16xi32> to vector<16xi32>
    %swap3A_351 = vector.shape_cast %add3A_347 : vector<16xi32> to vector<16xi32>
    tpu.vector_store %arg4[%swap3A_348], %swap3A_351 {strides = array<i32>} : memref<544xi32, #tpu.memory_space<vmem>>, vector<16xi32>,
    %add3A_352 = arith.constant 16 : i32
    %add3A_353 = arith.addi %mul3A_2, %add3A_352 : i32
    %add3A_354 = vector.broadcast %add3A_353 : i32 to vector<16xi32>
    %add3A_355 = arith.addi %add3A_354, %iota3A : vector<16xi32>
    %mul3A_356 = arith.constant 100000 : i32
    %mul3A_357 = vector.broadcast %mul3A_356 : i32 to vector<16xi32>
    %mul3A_358 = arith.muli %add3A_355, %mul3A_357 : vector<16xi32>
    %add3A_359 = arith.constant 4096 : i32
    %add3A_360 = vector.broadcast %add3A_359 : i32 to vector<16xi32>
    %add3A_361 = arith.addi %mul3A_358, %add3A_360 : vector<16xi32>
    %swap3A_362 = arith.constant 400 : index
    %swap3A_363 = tpu.vector_load %arg4[%swap3A_362] {strides = array<i32>} : memref<544xi32, #tpu.memory_space<vmem>>, vector<16xi32>,
    %swap3A_364 = vector.shape_cast %swap3A_363 : vector<16xi32> to vector<16xi32>
    %swap3A_365 = vector.shape_cast %add3A_361 : vector<16xi32> to vector<16xi32>
    tpu.vector_store %arg4[%swap3A_362], %swap3A_365 {strides = array<i32>} : memref<544xi32, #tpu.memory_space<vmem>>, vector<16xi32>,
    %add3A_366 = arith.constant 0 : i32
    %add3A_367 = arith.addi %mul3A_2, %add3A_366 : i32
    %add3A_368 = vector.broadcast %add3A_367 : i32 to vector<16xi32>
    %add3A_369 = arith.addi %add3A_368, %iota3A : vector<16xi32>
    %mul3A_370 = arith.constant 100000 : i32
    %mul3A_371 = vector.broadcast %mul3A_370 : i32 to vector<16xi32>
    %mul3A_372 = arith.muli %add3A_369, %mul3A_371 : vector<16xi32>
    %add3A_373 = arith.constant 8192 : i32
    %add3A_374 = vector.broadcast %add3A_373 : i32 to vector<16xi32>
    %add3A_375 = arith.addi %mul3A_372, %add3A_374 : vector<16xi32>
    %swap3A_376 = arith.constant 416 : index
    %swap3A_377 = tpu.vector_load %arg4[%swap3A_376] {strides = array<i32>} : memref<544xi32, #tpu.memory_space<vmem>>, vector<16xi32>,
    %swap3A_378 = vector.shape_cast %swap3A_377 : vector<16xi32> to vector<16xi32>
    %swap3A_379 = vector.shape_cast %add3A_375 : vector<16xi32> to vector<16xi32>
    tpu.vector_store %arg4[%swap3A_376], %swap3A_379 {strides = array<i32>} : memref<544xi32, #tpu.memory_space<vmem>>, vector<16xi32>,
    %add3A_380 = arith.constant 16 : i32
    %add3A_381 = arith.addi %mul3A_2, %add3A_380 : i32
    %add3A_382 = vector.broadcast %add3A_381 : i32 to vector<16xi32>
    %add3A_383 = arith.addi %add3A_382, %iota3A : vector<16xi32>
    %mul3A_384 = arith.constant 100000 : i32
    %mul3A_385 = vector.broadcast %mul3A_384 : i32 to vector<16xi32>
    %mul3A_386 = arith.muli %add3A_383, %mul3A_385 : vector<16xi32>
    %add3A_387 = arith.constant 8192 : i32
    %add3A_388 = vector.broadcast %add3A_387 : i32 to vector<16xi32>
    %add3A_389 = arith.addi %mul3A_386, %add3A_388 : vector<16xi32>
    %swap3A_390 = arith.constant 432 : index
    %swap3A_391 = tpu.vector_load %arg4[%swap3A_390] {strides = array<i32>} : memref<544xi32, #tpu.memory_space<vmem>>, vector<16xi32>,
    %swap3A_392 = vector.shape_cast %swap3A_391 : vector<16xi32> to vector<16xi32>
    %swap3A_393 = vector.shape_cast %add3A_389 : vector<16xi32> to vector<16xi32>
    tpu.vector_store %arg4[%swap3A_390], %swap3A_393 {strides = array<i32>} : memref<544xi32, #tpu.memory_space<vmem>>, vector<16xi32>,
    %add3A_394 = arith.constant 0 : i32
    %add3A_395 = arith.addi %mul3A_2, %add3A_394 : i32
    %add3A_396 = vector.broadcast %add3A_395 : i32 to vector<16xi32>
    %add3A_397 = arith.addi %add3A_396, %iota3A : vector<16xi32>
    %mul3A_398 = arith.constant 100000 : i32
    %mul3A_399 = vector.broadcast %mul3A_398 : i32 to vector<16xi32>
    %mul3A_400 = arith.muli %add3A_397, %mul3A_399 : vector<16xi32>
    %add3A_401 = arith.constant 16384 : i32
    %add3A_402 = vector.broadcast %add3A_401 : i32 to vector<16xi32>
    %add3A_403 = arith.addi %mul3A_400, %add3A_402 : vector<16xi32>
    %swap3A_404 = arith.constant 448 : index
    %swap3A_405 = tpu.vector_load %arg4[%swap3A_404] {strides = array<i32>} : memref<544xi32, #tpu.memory_space<vmem>>, vector<16xi32>,
    %swap3A_406 = vector.shape_cast %swap3A_405 : vector<16xi32> to vector<16xi32>
    %swap3A_407 = vector.shape_cast %add3A_403 : vector<16xi32> to vector<16xi32>
    tpu.vector_store %arg4[%swap3A_404], %swap3A_407 {strides = array<i32>} : memref<544xi32, #tpu.memory_space<vmem>>, vector<16xi32>,
    %add3A_408 = arith.constant 16 : i32
    %add3A_409 = arith.addi %mul3A_2, %add3A_408 : i32
    %add3A_410 = vector.broadcast %add3A_409 : i32 to vector<16xi32>
    %add3A_411 = arith.addi %add3A_410, %iota3A : vector<16xi32>
    %mul3A_412 = arith.constant 100000 : i32
    %mul3A_413 = vector.broadcast %mul3A_412 : i32 to vector<16xi32>
    %mul3A_414 = arith.muli %add3A_411, %mul3A_413 : vector<16xi32>
    %add3A_415 = arith.constant 16384 : i32
    %add3A_416 = vector.broadcast %add3A_415 : i32 to vector<16xi32>
    %add3A_417 = arith.addi %mul3A_414, %add3A_416 : vector<16xi32>
    %swap3A_418 = arith.constant 464 : index
    %swap3A_419 = tpu.vector_load %arg4[%swap3A_418] {strides = array<i32>} : memref<544xi32, #tpu.memory_space<vmem>>, vector<16xi32>,
    %swap3A_420 = vector.shape_cast %swap3A_419 : vector<16xi32> to vector<16xi32>
    %swap3A_421 = vector.shape_cast %add3A_417 : vector<16xi32> to vector<16xi32>
    tpu.vector_store %arg4[%swap3A_418], %swap3A_421 {strides = array<i32>} : memref<544xi32, #tpu.memory_space<vmem>>, vector<16xi32>,
    %add3A_422 = arith.constant 0 : i32
    %add3A_423 = arith.addi %mul3A_2, %add3A_422 : i32
    %add3A_424 = vector.broadcast %add3A_423 : i32 to vector<16xi32>
    %add3A_425 = arith.addi %add3A_424, %iota3A : vector<16xi32>
    %mul3A_426 = arith.constant 100000 : i32
    %mul3A_427 = vector.broadcast %mul3A_426 : i32 to vector<16xi32>
    %mul3A_428 = arith.muli %add3A_425, %mul3A_427 : vector<16xi32>
    %add3A_429 = arith.constant 32768 : i32
    %add3A_430 = vector.broadcast %add3A_429 : i32 to vector<16xi32>
    %add3A_431 = arith.addi %mul3A_428, %add3A_430 : vector<16xi32>
    %swap3A_432 = arith.constant 480 : index
    %swap3A_433 = tpu.vector_load %arg4[%swap3A_432] {strides = array<i32>} : memref<544xi32, #tpu.memory_space<vmem>>, vector<16xi32>,
    %swap3A_434 = vector.shape_cast %swap3A_433 : vector<16xi32> to vector<16xi32>
    %swap3A_435 = vector.shape_cast %add3A_431 : vector<16xi32> to vector<16xi32>
    tpu.vector_store %arg4[%swap3A_432], %swap3A_435 {strides = array<i32>} : memref<544xi32, #tpu.memory_space<vmem>>, vector<16xi32>,
    %add3A_436 = arith.constant 16 : i32
    %add3A_437 = arith.addi %mul3A_2, %add3A_436 : i32
    %add3A_438 = vector.broadcast %add3A_437 : i32 to vector<16xi32>
    %add3A_439 = arith.addi %add3A_438, %iota3A : vector<16xi32>
    %mul3A_440 = arith.constant 100000 : i32
    %mul3A_441 = vector.broadcast %mul3A_440 : i32 to vector<16xi32>
    %mul3A_442 = arith.muli %add3A_439, %mul3A_441 : vector<16xi32>
    %add3A_443 = arith.constant 32768 : i32
    %add3A_444 = vector.broadcast %add3A_443 : i32 to vector<16xi32>
    %add3A_445 = arith.addi %mul3A_442, %add3A_444 : vector<16xi32>
    %swap3A_446 = arith.constant 496 : index
    %swap3A_447 = tpu.vector_load %arg4[%swap3A_446] {strides = array<i32>} : memref<544xi32, #tpu.memory_space<vmem>>, vector<16xi32>,
    %swap3A_448 = vector.shape_cast %swap3A_447 : vector<16xi32> to vector<16xi32>
    %swap3A_449 = vector.shape_cast %add3A_445 : vector<16xi32> to vector<16xi32>
    tpu.vector_store %arg4[%swap3A_446], %swap3A_449 {strides = array<i32>} : memref<544xi32, #tpu.memory_space<vmem>>, vector<16xi32>,
    %add3A_450 = arith.constant 0 : i32
    %add3A_451 = arith.addi %mul3A_2, %add3A_450 : i32
    %add3A_452 = vector.broadcast %add3A_451 : i32 to vector<16xi32>
    %add3A_453 = arith.addi %add3A_452, %iota3A : vector<16xi32>
    %mul3A_454 = arith.constant 100000 : i32
    %mul3A_455 = vector.broadcast %mul3A_454 : i32 to vector<16xi32>
    %mul3A_456 = arith.muli %add3A_453, %mul3A_455 : vector<16xi32>
    %add3A_457 = arith.constant 65536 : i32
    %add3A_458 = vector.broadcast %add3A_457 : i32 to vector<16xi32>
    %add3A_459 = arith.addi %mul3A_456, %add3A_458 : vector<16xi32>
    %swap3A_460 = arith.constant 512 : index
    %swap3A_461 = tpu.vector_load %arg4[%swap3A_460] {strides = array<i32>} : memref<544xi32, #tpu.memory_space<vmem>>, vector<16xi32>,
    %swap3A_462 = vector.shape_cast %swap3A_461 : vector<16xi32> to vector<16xi32>
    %swap3A_463 = vector.shape_cast %add3A_459 : vector<16xi32> to vector<16xi32>
    tpu.vector_store %arg4[%swap3A_460], %swap3A_463 {strides = array<i32>} : memref<544xi32, #tpu.memory_space<vmem>>, vector<16xi32>,
    %add3A_464 = arith.constant 16 : i32
    %add3A_465 = arith.addi %mul3A_2, %add3A_464 : i32
    %add3A_466 = vector.broadcast %add3A_465 : i32 to vector<16xi32>
    %add3A_467 = arith.addi %add3A_466, %iota3A : vector<16xi32>
    %mul3A_468 = arith.constant 100000 : i32
    %mul3A_469 = vector.broadcast %mul3A_468 : i32 to vector<16xi32>
    %mul3A_470 = arith.muli %add3A_467, %mul3A_469 : vector<16xi32>
    %add3A_471 = arith.constant 65536 : i32
    %add3A_472 = vector.broadcast %add3A_471 : i32 to vector<16xi32>
    %add3A_473 = arith.addi %mul3A_470, %add3A_472 : vector<16xi32>
    %swap3A_474 = arith.constant 528 : index
    %swap3A_475 = tpu.vector_load %arg4[%swap3A_474] {strides = array<i32>} : memref<544xi32, #tpu.memory_space<vmem>>, vector<16xi32>,
    %swap3A_476 = vector.shape_cast %swap3A_475 : vector<16xi32> to vector<16xi32>
    %swap3A_477 = vector.shape_cast %add3A_473 : vector<16xi32> to vector<16xi32>
    tpu.vector_store %arg4[%swap3A_474], %swap3A_477 {strides = array<i32>} : memref<544xi32, #tpu.memory_space<vmem>>, vector<16xi32>,
    %dma_start3A = arith.constant 0 : i32
    %dma_start3A_478 = tpu.memref_slice %arg2[%dma_start3A] : memref<102400000xf32, #tpu.memory_space<hbm>> -> memref<102400000xf32, #tpu.memory_space<hbm>>
    tpu.enqueue_indirect_dma source(%dma_start3A_478 : memref<102400000xf32, #tpu.memory_space<hbm>>) target(%arg5 : memref<544xf32, #tpu.memory_space<vmem>>) offsets(%arg4 : memref<544xi32, #tpu.memory_space<vmem>>) semaphore(%arg6 : memref<!tpu.dma_semaphore, #tpu.memory_space<semaphore_mem>>)
    %dma_wait3A = arith.constant 0 : i32
    %dma_wait3A_479 = tpu.memref_slice %arg2[%dma_wait3A] : memref<102400000xf32, #tpu.memory_space<hbm>> -> memref<102400000xf32, #tpu.memory_space<hbm>>
    tpu.wait_indirect_dma semaphore(%arg6 : memref<!tpu.dma_semaphore, #tpu.memory_space<semaphore_mem>>) src(%dma_wait3A_479 : memref<102400000xf32, #tpu.memory_space<hbm>>) dst(%arg5 : memref<544xf32, #tpu.memory_space<vmem>>)
    %get3A = arith.constant 0 : index
    %get3A_480 = tpu.vector_load %arg5[%get3A] {strides = array<i32>} : memref<544xf32, #tpu.memory_space<vmem>>, vector<16xf32>,
    %get3A_481 = vector.shape_cast %get3A_480 : vector<16xf32> to vector<16xf32>
    %mul3A_482 = arith.constant 1.200000e+01 : f32
    %mul3A_483 = vector.broadcast %mul3A_482 : f32 to vector<16xf32>
    %mul3A_484 = arith.mulf %get3A_481, %mul3A_483 : vector<16xf32>
    %sub3A = arith.constant 6.000000e+00 : f32
    %sub3A_485 = vector.broadcast %sub3A : f32 to vector<16xf32>
    %sub3A_486 = arith.subf %mul3A_484, %sub3A_485 : vector<16xf32>
    %swap3A_487 = arith.constant 0 : index
    %swap3A_488 = tpu.vector_load %arg5[%swap3A_487] {strides = array<i32>} : memref<544xf32, #tpu.memory_space<vmem>>, vector<16xf32>,
    %swap3A_489 = vector.shape_cast %swap3A_488 : vector<16xf32> to vector<16xf32>
    %swap3A_490 = vector.shape_cast %sub3A_486 : vector<16xf32> to vector<16xf32>
    tpu.vector_store %arg5[%swap3A_487], %swap3A_490 {strides = array<i32>} : memref<544xf32, #tpu.memory_space<vmem>>, vector<16xf32>,
    %get3A_491 = arith.constant 16 : index
    %get3A_492 = tpu.vector_load %arg5[%get3A_491] {strides = array<i32>} : memref<544xf32, #tpu.memory_space<vmem>>, vector<16xf32>,
    %get3A_493 = vector.shape_cast %get3A_492 : vector<16xf32> to vector<16xf32>
    %mul3A_494 = arith.constant 1.200000e+01 : f32
    %mul3A_495 = vector.broadcast %mul3A_494 : f32 to vector<16xf32>
    %mul3A_496 = arith.mulf %get3A_493, %mul3A_495 : vector<16xf32>
    %sub3A_497 = arith.constant 6.000000e+00 : f32
    %sub3A_498 = vector.broadcast %sub3A_497 : f32 to vector<16xf32>
    %sub3A_499 = arith.subf %mul3A_496, %sub3A_498 : vector<16xf32>
    %swap3A_500 = arith.constant 16 : index
    %swap3A_501 = tpu.vector_load %arg5[%swap3A_500] {strides = array<i32>} : memref<544xf32, #tpu.memory_space<vmem>>, vector<16xf32>,
    %swap3A_502 = vector.shape_cast %swap3A_501 : vector<16xf32> to vector<16xf32>
    %swap3A_503 = vector.shape_cast %sub3A_499 : vector<16xf32> to vector<16xf32>
    tpu.vector_store %arg5[%swap3A_500], %swap3A_503 {strides = array<i32>} : memref<544xf32, #tpu.memory_space<vmem>>, vector<16xf32>,
    %get3A_504 = arith.constant 32 : index
    %get3A_505 = tpu.vector_load %arg5[%get3A_504] {strides = array<i32>} : memref<544xf32, #tpu.memory_space<vmem>>, vector<16xf32>,
    %get3A_506 = vector.shape_cast %get3A_505 : vector<16xf32> to vector<16xf32>
    %mul3A_507 = arith.constant 1.200000e+01 : f32
    %mul3A_508 = vector.broadcast %mul3A_507 : f32 to vector<16xf32>
    %mul3A_509 = arith.mulf %get3A_506, %mul3A_508 : vector<16xf32>
    %sub3A_510 = arith.constant 6.000000e+00 : f32
    %sub3A_511 = vector.broadcast %sub3A_510 : f32 to vector<16xf32>
    %sub3A_512 = arith.subf %mul3A_509, %sub3A_511 : vector<16xf32>
    %swap3A_513 = arith.constant 32 : index
    %swap3A_514 = tpu.vector_load %arg5[%swap3A_513] {strides = array<i32>} : memref<544xf32, #tpu.memory_space<vmem>>, vector<16xf32>,
    %swap3A_515 = vector.shape_cast %swap3A_514 : vector<16xf32> to vector<16xf32>
    %swap3A_516 = vector.shape_cast %sub3A_512 : vector<16xf32> to vector<16xf32>
    tpu.vector_store %arg5[%swap3A_513], %swap3A_516 {strides = array<i32>} : memref<544xf32, #tpu.memory_space<vmem>>, vector<16xf32>,
    %get3A_517 = arith.constant 48 : index
    %get3A_518 = tpu.vector_load %arg5[%get3A_517] {strides = array<i32>} : memref<544xf32, #tpu.memory_space<vmem>>, vector<16xf32>,
    %get3A_519 = vector.shape_cast %get3A_518 : vector<16xf32> to vector<16xf32>
    %mul3A_520 = arith.constant 1.200000e+01 : f32
    %mul3A_521 = vector.broadcast %mul3A_520 : f32 to vector<16xf32>
    %mul3A_522 = arith.mulf %get3A_519, %mul3A_521 : vector<16xf32>
    %sub3A_523 = arith.constant 6.000000e+00 : f32
    %sub3A_524 = vector.broadcast %sub3A_523 : f32 to vector<16xf32>
    %sub3A_525 = arith.subf %mul3A_522, %sub3A_524 : vector<16xf32>
    %swap3A_526 = arith.constant 48 : index
    %swap3A_527 = tpu.vector_load %arg5[%swap3A_526] {strides = array<i32>} : memref<544xf32, #tpu.memory_space<vmem>>, vector<16xf32>,
    %swap3A_528 = vector.shape_cast %swap3A_527 : vector<16xf32> to vector<16xf32>
    %swap3A_529 = vector.shape_cast %sub3A_525 : vector<16xf32> to vector<16xf32>
    tpu.vector_store %arg5[%swap3A_526], %swap3A_529 {strides = array<i32>} : memref<544xf32, #tpu.memory_space<vmem>>, vector<16xf32>,
    %get3A_530 = arith.constant 64 : index
    %get3A_531 = tpu.vector_load %arg5[%get3A_530] {strides = array<i32>} : memref<544xf32, #tpu.memory_space<vmem>>, vector<16xf32>,
    %get3A_532 = vector.shape_cast %get3A_531 : vector<16xf32> to vector<16xf32>
    %mul3A_533 = arith.constant 1.200000e+01 : f32
    %mul3A_534 = vector.broadcast %mul3A_533 : f32 to vector<16xf32>
    %mul3A_535 = arith.mulf %get3A_532, %mul3A_534 : vector<16xf32>
    %sub3A_536 = arith.constant 6.000000e+00 : f32
    %sub3A_537 = vector.broadcast %sub3A_536 : f32 to vector<16xf32>
    %sub3A_538 = arith.subf %mul3A_535, %sub3A_537 : vector<16xf32>
    %swap3A_539 = arith.constant 64 : index
    %swap3A_540 = tpu.vector_load %arg5[%swap3A_539] {strides = array<i32>} : memref<544xf32, #tpu.memory_space<vmem>>, vector<16xf32>,
    %swap3A_541 = vector.shape_cast %swap3A_540 : vector<16xf32> to vector<16xf32>
    %swap3A_542 = vector.shape_cast %sub3A_538 : vector<16xf32> to vector<16xf32>
    tpu.vector_store %arg5[%swap3A_539], %swap3A_542 {strides = array<i32>} : memref<544xf32, #tpu.memory_space<vmem>>, vector<16xf32>,
    %get3A_543 = arith.constant 80 : index
    %get3A_544 = tpu.vector_load %arg5[%get3A_543] {strides = array<i32>} : memref<544xf32, #tpu.memory_space<vmem>>, vector<16xf32>,
    %get3A_545 = vector.shape_cast %get3A_544 : vector<16xf32> to vector<16xf32>
    %mul3A_546 = arith.constant 1.200000e+01 : f32
    %mul3A_547 = vector.broadcast %mul3A_546 : f32 to vector<16xf32>
    %mul3A_548 = arith.mulf %get3A_545, %mul3A_547 : vector<16xf32>
    %sub3A_549 = arith.constant 6.000000e+00 : f32
    %sub3A_550 = vector.broadcast %sub3A_549 : f32 to vector<16xf32>
    %sub3A_551 = arith.subf %mul3A_548, %sub3A_550 : vector<16xf32>
    %swap3A_552 = arith.constant 80 : index
    %swap3A_553 = tpu.vector_load %arg5[%swap3A_552] {strides = array<i32>} : memref<544xf32, #tpu.memory_space<vmem>>, vector<16xf32>,
    %swap3A_554 = vector.shape_cast %swap3A_553 : vector<16xf32> to vector<16xf32>
    %swap3A_555 = vector.shape_cast %sub3A_551 : vector<16xf32> to vector<16xf32>
    tpu.vector_store %arg5[%swap3A_552], %swap3A_555 {strides = array<i32>} : memref<544xf32, #tpu.memory_space<vmem>>, vector<16xf32>,
    %get3A_556 = arith.constant 96 : index
    %get3A_557 = tpu.vector_load %arg5[%get3A_556] {strides = array<i32>} : memref<544xf32, #tpu.memory_space<vmem>>, vector<16xf32>,
    %get3A_558 = vector.shape_cast %get3A_557 : vector<16xf32> to vector<16xf32>
    %mul3A_559 = arith.constant 1.200000e+01 : f32
    %mul3A_560 = vector.broadcast %mul3A_559 : f32 to vector<16xf32>
    %mul3A_561 = arith.mulf %get3A_558, %mul3A_560 : vector<16xf32>
    %sub3A_562 = arith.constant 6.000000e+00 : f32
    %sub3A_563 = vector.broadcast %sub3A_562 : f32 to vector<16xf32>
    %sub3A_564 = arith.subf %mul3A_561, %sub3A_563 : vector<16xf32>
    %swap3A_565 = arith.constant 96 : index
    %swap3A_566 = tpu.vector_load %arg5[%swap3A_565] {strides = array<i32>} : memref<544xf32, #tpu.memory_space<vmem>>, vector<16xf32>,
    %swap3A_567 = vector.shape_cast %swap3A_566 : vector<16xf32> to vector<16xf32>
    %swap3A_568 = vector.shape_cast %sub3A_564 : vector<16xf32> to vector<16xf32>
    tpu.vector_store %arg5[%swap3A_565], %swap3A_568 {strides = array<i32>} : memref<544xf32, #tpu.memory_space<vmem>>, vector<16xf32>,
    %get3A_569 = arith.constant 112 : index
    %get3A_570 = tpu.vector_load %arg5[%get3A_569] {strides = array<i32>} : memref<544xf32, #tpu.memory_space<vmem>>, vector<16xf32>,
    %get3A_571 = vector.shape_cast %get3A_570 : vector<16xf32> to vector<16xf32>
    %mul3A_572 = arith.constant 1.200000e+01 : f32
    %mul3A_573 = vector.broadcast %mul3A_572 : f32 to vector<16xf32>
    %mul3A_574 = arith.mulf %get3A_571, %mul3A_573 : vector<16xf32>
    %sub3A_575 = arith.constant 6.000000e+00 : f32
    %sub3A_576 = vector.broadcast %sub3A_575 : f32 to vector<16xf32>
    %sub3A_577 = arith.subf %mul3A_574, %sub3A_576 : vector<16xf32>
    %swap3A_578 = arith.constant 112 : index
    %swap3A_579 = tpu.vector_load %arg5[%swap3A_578] {strides = array<i32>} : memref<544xf32, #tpu.memory_space<vmem>>, vector<16xf32>,
    %swap3A_580 = vector.shape_cast %swap3A_579 : vector<16xf32> to vector<16xf32>
    %swap3A_581 = vector.shape_cast %sub3A_577 : vector<16xf32> to vector<16xf32>
    tpu.vector_store %arg5[%swap3A_578], %swap3A_581 {strides = array<i32>} : memref<544xf32, #tpu.memory_space<vmem>>, vector<16xf32>,
    %get3A_582 = arith.constant 128 : index
    %get3A_583 = tpu.vector_load %arg5[%get3A_582] {strides = array<i32>} : memref<544xf32, #tpu.memory_space<vmem>>, vector<16xf32>,
    %get3A_584 = vector.shape_cast %get3A_583 : vector<16xf32> to vector<16xf32>
    %mul3A_585 = arith.constant 1.200000e+01 : f32
    %mul3A_586 = vector.broadcast %mul3A_585 : f32 to vector<16xf32>
    %mul3A_587 = arith.mulf %get3A_584, %mul3A_586 : vector<16xf32>
    %sub3A_588 = arith.constant 6.000000e+00 : f32
    %sub3A_589 = vector.broadcast %sub3A_588 : f32 to vector<16xf32>
    %sub3A_590 = arith.subf %mul3A_587, %sub3A_589 : vector<16xf32>
    %swap3A_591 = arith.constant 128 : index
    %swap3A_592 = tpu.vector_load %arg5[%swap3A_591] {strides = array<i32>} : memref<544xf32, #tpu.memory_space<vmem>>, vector<16xf32>,
    %swap3A_593 = vector.shape_cast %swap3A_592 : vector<16xf32> to vector<16xf32>
    %swap3A_594 = vector.shape_cast %sub3A_590 : vector<16xf32> to vector<16xf32>
    tpu.vector_store %arg5[%swap3A_591], %swap3A_594 {strides = array<i32>} : memref<544xf32, #tpu.memory_space<vmem>>, vector<16xf32>,
    %get3A_595 = arith.constant 144 : index
    %get3A_596 = tpu.vector_load %arg5[%get3A_595] {strides = array<i32>} : memref<544xf32, #tpu.memory_space<vmem>>, vector<16xf32>,
    %get3A_597 = vector.shape_cast %get3A_596 : vector<16xf32> to vector<16xf32>
    %mul3A_598 = arith.constant 1.200000e+01 : f32
    %mul3A_599 = vector.broadcast %mul3A_598 : f32 to vector<16xf32>
    %mul3A_600 = arith.mulf %get3A_597, %mul3A_599 : vector<16xf32>
    %sub3A_601 = arith.constant 6.000000e+00 : f32
    %sub3A_602 = vector.broadcast %sub3A_601 : f32 to vector<16xf32>
    %sub3A_603 = arith.subf %mul3A_600, %sub3A_602 : vector<16xf32>
    %swap3A_604 = arith.constant 144 : index
    %swap3A_605 = tpu.vector_load %arg5[%swap3A_604] {strides = array<i32>} : memref<544xf32, #tpu.memory_space<vmem>>, vector<16xf32>,
    %swap3A_606 = vector.shape_cast %swap3A_605 : vector<16xf32> to vector<16xf32>
    %swap3A_607 = vector.shape_cast %sub3A_603 : vector<16xf32> to vector<16xf32>
    tpu.vector_store %arg5[%swap3A_604], %swap3A_607 {strides = array<i32>} : memref<544xf32, #tpu.memory_space<vmem>>, vector<16xf32>,
    %get3A_608 = arith.constant 160 : index
    %get3A_609 = tpu.vector_load %arg5[%get3A_608] {strides = array<i32>} : memref<544xf32, #tpu.memory_space<vmem>>, vector<16xf32>,
    %get3A_610 = vector.shape_cast %get3A_609 : vector<16xf32> to vector<16xf32>
    %mul3A_611 = arith.constant 1.200000e+01 : f32
    %mul3A_612 = vector.broadcast %mul3A_611 : f32 to vector<16xf32>
    %mul3A_613 = arith.mulf %get3A_610, %mul3A_612 : vector<16xf32>
    %sub3A_614 = arith.constant 6.000000e+00 : f32
    %sub3A_615 = vector.broadcast %sub3A_614 : f32 to vector<16xf32>
    %sub3A_616 = arith.subf %mul3A_613, %sub3A_615 : vector<16xf32>
    %swap3A_617 = arith.constant 160 : index
    %swap3A_618 = tpu.vector_load %arg5[%swap3A_617] {strides = array<i32>} : memref<544xf32, #tpu.memory_space<vmem>>, vector<16xf32>,
    %swap3A_619 = vector.shape_cast %swap3A_618 : vector<16xf32> to vector<16xf32>
    %swap3A_620 = vector.shape_cast %sub3A_616 : vector<16xf32> to vector<16xf32>
    tpu.vector_store %arg5[%swap3A_617], %swap3A_620 {strides = array<i32>} : memref<544xf32, #tpu.memory_space<vmem>>, vector<16xf32>,
    %get3A_621 = arith.constant 176 : index
    %get3A_622 = tpu.vector_load %arg5[%get3A_621] {strides = array<i32>} : memref<544xf32, #tpu.memory_space<vmem>>, vector<16xf32>,
    %get3A_623 = vector.shape_cast %get3A_622 : vector<16xf32> to vector<16xf32>
    %mul3A_624 = arith.constant 1.200000e+01 : f32
    %mul3A_625 = vector.broadcast %mul3A_624 : f32 to vector<16xf32>
    %mul3A_626 = arith.mulf %get3A_623, %mul3A_625 : vector<16xf32>
    %sub3A_627 = arith.constant 6.000000e+00 : f32
    %sub3A_628 = vector.broadcast %sub3A_627 : f32 to vector<16xf32>
    %sub3A_629 = arith.subf %mul3A_626, %sub3A_628 : vector<16xf32>
    %swap3A_630 = arith.constant 176 : index
    %swap3A_631 = tpu.vector_load %arg5[%swap3A_630] {strides = array<i32>} : memref<544xf32, #tpu.memory_space<vmem>>, vector<16xf32>,
    %swap3A_632 = vector.shape_cast %swap3A_631 : vector<16xf32> to vector<16xf32>
    %swap3A_633 = vector.shape_cast %sub3A_629 : vector<16xf32> to vector<16xf32>
    tpu.vector_store %arg5[%swap3A_630], %swap3A_633 {strides = array<i32>} : memref<544xf32, #tpu.memory_space<vmem>>, vector<16xf32>,
    %get3A_634 = arith.constant 192 : index
    %get3A_635 = tpu.vector_load %arg5[%get3A_634] {strides = array<i32>} : memref<544xf32, #tpu.memory_space<vmem>>, vector<16xf32>,
    %get3A_636 = vector.shape_cast %get3A_635 : vector<16xf32> to vector<16xf32>
    %mul3A_637 = arith.constant 1.200000e+01 : f32
    %mul3A_638 = vector.broadcast %mul3A_637 : f32 to vector<16xf32>
    %mul3A_639 = arith.mulf %get3A_636, %mul3A_638 : vector<16xf32>
    %sub3A_640 = arith.constant 6.000000e+00 : f32
    %sub3A_641 = vector.broadcast %sub3A_640 : f32 to vector<16xf32>
    %sub3A_642 = arith.subf %mul3A_639, %sub3A_641 : vector<16xf32>
    %swap3A_643 = arith.constant 192 : index
    %swap3A_644 = tpu.vector_load %arg5[%swap3A_643] {strides = array<i32>} : memref<544xf32, #tpu.memory_space<vmem>>, vector<16xf32>,
    %swap3A_645 = vector.shape_cast %swap3A_644 : vector<16xf32> to vector<16xf32>
    %swap3A_646 = vector.shape_cast %sub3A_642 : vector<16xf32> to vector<16xf32>
    tpu.vector_store %arg5[%swap3A_643], %swap3A_646 {strides = array<i32>} : memref<544xf32, #tpu.memory_space<vmem>>, vector<16xf32>,
    %get3A_647 = arith.constant 208 : index
    %get3A_648 = tpu.vector_load %arg5[%get3A_647] {strides = array<i32>} : memref<544xf32, #tpu.memory_space<vmem>>, vector<16xf32>,
    %get3A_649 = vector.shape_cast %get3A_648 : vector<16xf32> to vector<16xf32>
    %mul3A_650 = arith.constant 1.200000e+01 : f32
    %mul3A_651 = vector.broadcast %mul3A_650 : f32 to vector<16xf32>
    %mul3A_652 = arith.mulf %get3A_649, %mul3A_651 : vector<16xf32>
    %sub3A_653 = arith.constant 6.000000e+00 : f32
    %sub3A_654 = vector.broadcast %sub3A_653 : f32 to vector<16xf32>
    %sub3A_655 = arith.subf %mul3A_652, %sub3A_654 : vector<16xf32>
    %swap3A_656 = arith.constant 208 : index
    %swap3A_657 = tpu.vector_load %arg5[%swap3A_656] {strides = array<i32>} : memref<544xf32, #tpu.memory_space<vmem>>, vector<16xf32>,
    %swap3A_658 = vector.shape_cast %swap3A_657 : vector<16xf32> to vector<16xf32>
    %swap3A_659 = vector.shape_cast %sub3A_655 : vector<16xf32> to vector<16xf32>
    tpu.vector_store %arg5[%swap3A_656], %swap3A_659 {strides = array<i32>} : memref<544xf32, #tpu.memory_space<vmem>>, vector<16xf32>,
    %get3A_660 = arith.constant 224 : index
    %get3A_661 = tpu.vector_load %arg5[%get3A_660] {strides = array<i32>} : memref<544xf32, #tpu.memory_space<vmem>>, vector<16xf32>,
    %get3A_662 = vector.shape_cast %get3A_661 : vector<16xf32> to vector<16xf32>
    %mul3A_663 = arith.constant 1.200000e+01 : f32
    %mul3A_664 = vector.broadcast %mul3A_663 : f32 to vector<16xf32>
    %mul3A_665 = arith.mulf %get3A_662, %mul3A_664 : vector<16xf32>
    %sub3A_666 = arith.constant 6.000000e+00 : f32
    %sub3A_667 = vector.broadcast %sub3A_666 : f32 to vector<16xf32>
    %sub3A_668 = arith.subf %mul3A_665, %sub3A_667 : vector<16xf32>
    %swap3A_669 = arith.constant 224 : index
    %swap3A_670 = tpu.vector_load %arg5[%swap3A_669] {strides = array<i32>} : memref<544xf32, #tpu.memory_space<vmem>>, vector<16xf32>,
    %swap3A_671 = vector.shape_cast %swap3A_670 : vector<16xf32> to vector<16xf32>
    %swap3A_672 = vector.shape_cast %sub3A_668 : vector<16xf32> to vector<16xf32>
    tpu.vector_store %arg5[%swap3A_669], %swap3A_672 {strides = array<i32>} : memref<544xf32, #tpu.memory_space<vmem>>, vector<16xf32>,
    %get3A_673 = arith.constant 240 : index
    %get3A_674 = tpu.vector_load %arg5[%get3A_673] {strides = array<i32>} : memref<544xf32, #tpu.memory_space<vmem>>, vector<16xf32>,
    %get3A_675 = vector.shape_cast %get3A_674 : vector<16xf32> to vector<16xf32>
    %mul3A_676 = arith.constant 1.200000e+01 : f32
    %mul3A_677 = vector.broadcast %mul3A_676 : f32 to vector<16xf32>
    %mul3A_678 = arith.mulf %get3A_675, %mul3A_677 : vector<16xf32>
    %sub3A_679 = arith.constant 6.000000e+00 : f32
    %sub3A_680 = vector.broadcast %sub3A_679 : f32 to vector<16xf32>
    %sub3A_681 = arith.subf %mul3A_678, %sub3A_680 : vector<16xf32>
    %swap3A_682 = arith.constant 240 : index
    %swap3A_683 = tpu.vector_load %arg5[%swap3A_682] {strides = array<i32>} : memref<544xf32, #tpu.memory_space<vmem>>, vector<16xf32>,
    %swap3A_684 = vector.shape_cast %swap3A_683 : vector<16xf32> to vector<16xf32>
    %swap3A_685 = vector.shape_cast %sub3A_681 : vector<16xf32> to vector<16xf32>
    tpu.vector_store %arg5[%swap3A_682], %swap3A_685 {strides = array<i32>} : memref<544xf32, #tpu.memory_space<vmem>>, vector<16xf32>,
    %get3A_686 = arith.constant 256 : index
    %get3A_687 = tpu.vector_load %arg5[%get3A_686] {strides = array<i32>} : memref<544xf32, #tpu.memory_space<vmem>>, vector<16xf32>,
    %get3A_688 = vector.shape_cast %get3A_687 : vector<16xf32> to vector<16xf32>
    %mul3A_689 = arith.constant 1.200000e+01 : f32
    %mul3A_690 = vector.broadcast %mul3A_689 : f32 to vector<16xf32>
    %mul3A_691 = arith.mulf %get3A_688, %mul3A_690 : vector<16xf32>
    %sub3A_692 = arith.constant 6.000000e+00 : f32
    %sub3A_693 = vector.broadcast %sub3A_692 : f32 to vector<16xf32>
    %sub3A_694 = arith.subf %mul3A_691, %sub3A_693 : vector<16xf32>
    %swap3A_695 = arith.constant 256 : index
    %swap3A_696 = tpu.vector_load %arg5[%swap3A_695] {strides = array<i32>} : memref<544xf32, #tpu.memory_space<vmem>>, vector<16xf32>,
    %swap3A_697 = vector.shape_cast %swap3A_696 : vector<16xf32> to vector<16xf32>
    %swap3A_698 = vector.shape_cast %sub3A_694 : vector<16xf32> to vector<16xf32>
    tpu.vector_store %arg5[%swap3A_695], %swap3A_698 {strides = array<i32>} : memref<544xf32, #tpu.memory_space<vmem>>, vector<16xf32>,
    %get3A_699 = arith.constant 272 : index
    %get3A_700 = tpu.vector_load %arg5[%get3A_699] {strides = array<i32>} : memref<544xf32, #tpu.memory_space<vmem>>, vector<16xf32>,
    %get3A_701 = vector.shape_cast %get3A_700 : vector<16xf32> to vector<16xf32>
    %mul3A_702 = arith.constant 1.200000e+01 : f32
    %mul3A_703 = vector.broadcast %mul3A_702 : f32 to vector<16xf32>
    %mul3A_704 = arith.mulf %get3A_701, %mul3A_703 : vector<16xf32>
    %sub3A_705 = arith.constant 6.000000e+00 : f32
    %sub3A_706 = vector.broadcast %sub3A_705 : f32 to vector<16xf32>
    %sub3A_707 = arith.subf %mul3A_704, %sub3A_706 : vector<16xf32>
    %swap3A_708 = arith.constant 272 : index
    %swap3A_709 = tpu.vector_load %arg5[%swap3A_708] {strides = array<i32>} : memref<544xf32, #tpu.memory_space<vmem>>, vector<16xf32>,
    %swap3A_710 = vector.shape_cast %swap3A_709 : vector<16xf32> to vector<16xf32>
    %swap3A_711 = vector.shape_cast %sub3A_707 : vector<16xf32> to vector<16xf32>
    tpu.vector_store %arg5[%swap3A_708], %swap3A_711 {strides = array<i32>} : memref<544xf32, #tpu.memory_space<vmem>>, vector<16xf32>,
    %get3A_712 = arith.constant 288 : index
    %get3A_713 = tpu.vector_load %arg5[%get3A_712] {strides = array<i32>} : memref<544xf32, #tpu.memory_space<vmem>>, vector<16xf32>,
    %get3A_714 = vector.shape_cast %get3A_713 : vector<16xf32> to vector<16xf32>
    %mul3A_715 = arith.constant 1.200000e+01 : f32
    %mul3A_716 = vector.broadcast %mul3A_715 : f32 to vector<16xf32>
    %mul3A_717 = arith.mulf %get3A_714, %mul3A_716 : vector<16xf32>
    %sub3A_718 = arith.constant 6.000000e+00 : f32
    %sub3A_719 = vector.broadcast %sub3A_718 : f32 to vector<16xf32>
    %sub3A_720 = arith.subf %mul3A_717, %sub3A_719 : vector<16xf32>
    %swap3A_721 = arith.constant 288 : index
    %swap3A_722 = tpu.vector_load %arg5[%swap3A_721] {strides = array<i32>} : memref<544xf32, #tpu.memory_space<vmem>>, vector<16xf32>,
    %swap3A_723 = vector.shape_cast %swap3A_722 : vector<16xf32> to vector<16xf32>
    %swap3A_724 = vector.shape_cast %sub3A_720 : vector<16xf32> to vector<16xf32>
    tpu.vector_store %arg5[%swap3A_721], %swap3A_724 {strides = array<i32>} : memref<544xf32, #tpu.memory_space<vmem>>, vector<16xf32>,
    %get3A_725 = arith.constant 304 : index
    %get3A_726 = tpu.vector_load %arg5[%get3A_725] {strides = array<i32>} : memref<544xf32, #tpu.memory_space<vmem>>, vector<16xf32>,
    %get3A_727 = vector.shape_cast %get3A_726 : vector<16xf32> to vector<16xf32>
    %mul3A_728 = arith.constant 1.200000e+01 : f32
    %mul3A_729 = vector.broadcast %mul3A_728 : f32 to vector<16xf32>
    %mul3A_730 = arith.mulf %get3A_727, %mul3A_729 : vector<16xf32>
    %sub3A_731 = arith.constant 6.000000e+00 : f32
    %sub3A_732 = vector.broadcast %sub3A_731 : f32 to vector<16xf32>
    %sub3A_733 = arith.subf %mul3A_730, %sub3A_732 : vector<16xf32>
    %swap3A_734 = arith.constant 304 : index
    %swap3A_735 = tpu.vector_load %arg5[%swap3A_734] {strides = array<i32>} : memref<544xf32, #tpu.memory_space<vmem>>, vector<16xf32>,
    %swap3A_736 = vector.shape_cast %swap3A_735 : vector<16xf32> to vector<16xf32>
    %swap3A_737 = vector.shape_cast %sub3A_733 : vector<16xf32> to vector<16xf32>
    tpu.vector_store %arg5[%swap3A_734], %swap3A_737 {strides = array<i32>} : memref<544xf32, #tpu.memory_space<vmem>>, vector<16xf32>,
    %get3A_738 = arith.constant 320 : index
    %get3A_739 = tpu.vector_load %arg5[%get3A_738] {strides = array<i32>} : memref<544xf32, #tpu.memory_space<vmem>>, vector<16xf32>,
    %get3A_740 = vector.shape_cast %get3A_739 : vector<16xf32> to vector<16xf32>
    %mul3A_741 = arith.constant 1.200000e+01 : f32
    %mul3A_742 = vector.broadcast %mul3A_741 : f32 to vector<16xf32>
    %mul3A_743 = arith.mulf %get3A_740, %mul3A_742 : vector<16xf32>
    %sub3A_744 = arith.constant 6.000000e+00 : f32
    %sub3A_745 = vector.broadcast %sub3A_744 : f32 to vector<16xf32>
    %sub3A_746 = arith.subf %mul3A_743, %sub3A_745 : vector<16xf32>
    %swap3A_747 = arith.constant 320 : index
    %swap3A_748 = tpu.vector_load %arg5[%swap3A_747] {strides = array<i32>} : memref<544xf32, #tpu.memory_space<vmem>>, vector<16xf32>,
    %swap3A_749 = vector.shape_cast %swap3A_748 : vector<16xf32> to vector<16xf32>
    %swap3A_750 = vector.shape_cast %sub3A_746 : vector<16xf32> to vector<16xf32>
    tpu.vector_store %arg5[%swap3A_747], %swap3A_750 {strides = array<i32>} : memref<544xf32, #tpu.memory_space<vmem>>, vector<16xf32>,
    %get3A_751 = arith.constant 336 : index
    %get3A_752 = tpu.vector_load %arg5[%get3A_751] {strides = array<i32>} : memref<544xf32, #tpu.memory_space<vmem>>, vector<16xf32>,
    %get3A_753 = vector.shape_cast %get3A_752 : vector<16xf32> to vector<16xf32>
    %mul3A_754 = arith.constant 1.200000e+01 : f32
    %mul3A_755 = vector.broadcast %mul3A_754 : f32 to vector<16xf32>
    %mul3A_756 = arith.mulf %get3A_753, %mul3A_755 : vector<16xf32>
    %sub3A_757 = arith.constant 6.000000e+00 : f32
    %sub3A_758 = vector.broadcast %sub3A_757 : f32 to vector<16xf32>
    %sub3A_759 = arith.subf %mul3A_756, %sub3A_758 : vector<16xf32>
    %swap3A_760 = arith.constant 336 : index
    %swap3A_761 = tpu.vector_load %arg5[%swap3A_760] {strides = array<i32>} : memref<544xf32, #tpu.memory_space<vmem>>, vector<16xf32>,
    %swap3A_762 = vector.shape_cast %swap3A_761 : vector<16xf32> to vector<16xf32>
    %swap3A_763 = vector.shape_cast %sub3A_759 : vector<16xf32> to vector<16xf32>
    tpu.vector_store %arg5[%swap3A_760], %swap3A_763 {strides = array<i32>} : memref<544xf32, #tpu.memory_space<vmem>>, vector<16xf32>,
    %get3A_764 = arith.constant 352 : index
    %get3A_765 = tpu.vector_load %arg5[%get3A_764] {strides = array<i32>} : memref<544xf32, #tpu.memory_space<vmem>>, vector<16xf32>,
    %get3A_766 = vector.shape_cast %get3A_765 : vector<16xf32> to vector<16xf32>
    %mul3A_767 = arith.constant 1.200000e+01 : f32
    %mul3A_768 = vector.broadcast %mul3A_767 : f32 to vector<16xf32>
    %mul3A_769 = arith.mulf %get3A_766, %mul3A_768 : vector<16xf32>
    %sub3A_770 = arith.constant 6.000000e+00 : f32
    %sub3A_771 = vector.broadcast %sub3A_770 : f32 to vector<16xf32>
    %sub3A_772 = arith.subf %mul3A_769, %sub3A_771 : vector<16xf32>
    %swap3A_773 = arith.constant 352 : index
    %swap3A_774 = tpu.vector_load %arg5[%swap3A_773] {strides = array<i32>} : memref<544xf32, #tpu.memory_space<vmem>>, vector<16xf32>,
    %swap3A_775 = vector.shape_cast %swap3A_774 : vector<16xf32> to vector<16xf32>
    %swap3A_776 = vector.shape_cast %sub3A_772 : vector<16xf32> to vector<16xf32>
    tpu.vector_store %arg5[%swap3A_773], %swap3A_776 {strides = array<i32>} : memref<544xf32, #tpu.memory_space<vmem>>, vector<16xf32>,
    %get3A_777 = arith.constant 368 : index
    %get3A_778 = tpu.vector_load %arg5[%get3A_777] {strides = array<i32>} : memref<544xf32, #tpu.memory_space<vmem>>, vector<16xf32>,
    %get3A_779 = vector.shape_cast %get3A_778 : vector<16xf32> to vector<16xf32>
    %mul3A_780 = arith.constant 1.200000e+01 : f32
    %mul3A_781 = vector.broadcast %mul3A_780 : f32 to vector<16xf32>
    %mul3A_782 = arith.mulf %get3A_779, %mul3A_781 : vector<16xf32>
    %sub3A_783 = arith.constant 6.000000e+00 : f32
    %sub3A_784 = vector.broadcast %sub3A_783 : f32 to vector<16xf32>
    %sub3A_785 = arith.subf %mul3A_782, %sub3A_784 : vector<16xf32>
    %swap3A_786 = arith.constant 368 : index
    %swap3A_787 = tpu.vector_load %arg5[%swap3A_786] {strides = array<i32>} : memref<544xf32, #tpu.memory_space<vmem>>, vector<16xf32>,
    %swap3A_788 = vector.shape_cast %swap3A_787 : vector<16xf32> to vector<16xf32>
    %swap3A_789 = vector.shape_cast %sub3A_785 : vector<16xf32> to vector<16xf32>
    tpu.vector_store %arg5[%swap3A_786], %swap3A_789 {strides = array<i32>} : memref<544xf32, #tpu.memory_space<vmem>>, vector<16xf32>,
    %get3A_790 = arith.constant 384 : index
    %get3A_791 = tpu.vector_load %arg5[%get3A_790] {strides = array<i32>} : memref<544xf32, #tpu.memory_space<vmem>>, vector<16xf32>,
    %get3A_792 = vector.shape_cast %get3A_791 : vector<16xf32> to vector<16xf32>
    %mul3A_793 = arith.constant 1.200000e+01 : f32
    %mul3A_794 = vector.broadcast %mul3A_793 : f32 to vector<16xf32>
    %mul3A_795 = arith.mulf %get3A_792, %mul3A_794 : vector<16xf32>
    %sub3A_796 = arith.constant 6.000000e+00 : f32
    %sub3A_797 = vector.broadcast %sub3A_796 : f32 to vector<16xf32>
    %sub3A_798 = arith.subf %mul3A_795, %sub3A_797 : vector<16xf32>
    %swap3A_799 = arith.constant 384 : index
    %swap3A_800 = tpu.vector_load %arg5[%swap3A_799] {strides = array<i32>} : memref<544xf32, #tpu.memory_space<vmem>>, vector<16xf32>,
    %swap3A_801 = vector.shape_cast %swap3A_800 : vector<16xf32> to vector<16xf32>
    %swap3A_802 = vector.shape_cast %sub3A_798 : vector<16xf32> to vector<16xf32>
    tpu.vector_store %arg5[%swap3A_799], %swap3A_802 {strides = array<i32>} : memref<544xf32, #tpu.memory_space<vmem>>, vector<16xf32>,
    %get3A_803 = arith.constant 400 : index
    %get3A_804 = tpu.vector_load %arg5[%get3A_803] {strides = array<i32>} : memref<544xf32, #tpu.memory_space<vmem>>, vector<16xf32>,
    %get3A_805 = vector.shape_cast %get3A_804 : vector<16xf32> to vector<16xf32>
    %mul3A_806 = arith.constant 1.200000e+01 : f32
    %mul3A_807 = vector.broadcast %mul3A_806 : f32 to vector<16xf32>
    %mul3A_808 = arith.mulf %get3A_805, %mul3A_807 : vector<16xf32>
    %sub3A_809 = arith.constant 6.000000e+00 : f32
    %sub3A_810 = vector.broadcast %sub3A_809 : f32 to vector<16xf32>
    %sub3A_811 = arith.subf %mul3A_808, %sub3A_810 : vector<16xf32>
    %swap3A_812 = arith.constant 400 : index
    %swap3A_813 = tpu.vector_load %arg5[%swap3A_812] {strides = array<i32>} : memref<544xf32, #tpu.memory_space<vmem>>, vector<16xf32>,
    %swap3A_814 = vector.shape_cast %swap3A_813 : vector<16xf32> to vector<16xf32>
    %swap3A_815 = vector.shape_cast %sub3A_811 : vector<16xf32> to vector<16xf32>
    tpu.vector_store %arg5[%swap3A_812], %swap3A_815 {strides = array<i32>} : memref<544xf32, #tpu.memory_space<vmem>>, vector<16xf32>,
    %get3A_816 = arith.constant 416 : index
    %get3A_817 = tpu.vector_load %arg5[%get3A_816] {strides = array<i32>} : memref<544xf32, #tpu.memory_space<vmem>>, vector<16xf32>,
    %get3A_818 = vector.shape_cast %get3A_817 : vector<16xf32> to vector<16xf32>
    %mul3A_819 = arith.constant 1.200000e+01 : f32
    %mul3A_820 = vector.broadcast %mul3A_819 : f32 to vector<16xf32>
    %mul3A_821 = arith.mulf %get3A_818, %mul3A_820 : vector<16xf32>
    %sub3A_822 = arith.constant 6.000000e+00 : f32
    %sub3A_823 = vector.broadcast %sub3A_822 : f32 to vector<16xf32>
    %sub3A_824 = arith.subf %mul3A_821, %sub3A_823 : vector<16xf32>
    %swap3A_825 = arith.constant 416 : index
    %swap3A_826 = tpu.vector_load %arg5[%swap3A_825] {strides = array<i32>} : memref<544xf32, #tpu.memory_space<vmem>>, vector<16xf32>,
    %swap3A_827 = vector.shape_cast %swap3A_826 : vector<16xf32> to vector<16xf32>
    %swap3A_828 = vector.shape_cast %sub3A_824 : vector<16xf32> to vector<16xf32>
    tpu.vector_store %arg5[%swap3A_825], %swap3A_828 {strides = array<i32>} : memref<544xf32, #tpu.memory_space<vmem>>, vector<16xf32>,
    %get3A_829 = arith.constant 432 : index
    %get3A_830 = tpu.vector_load %arg5[%get3A_829] {strides = array<i32>} : memref<544xf32, #tpu.memory_space<vmem>>, vector<16xf32>,
    %get3A_831 = vector.shape_cast %get3A_830 : vector<16xf32> to vector<16xf32>
    %mul3A_832 = arith.constant 1.200000e+01 : f32
    %mul3A_833 = vector.broadcast %mul3A_832 : f32 to vector<16xf32>
    %mul3A_834 = arith.mulf %get3A_831, %mul3A_833 : vector<16xf32>
    %sub3A_835 = arith.constant 6.000000e+00 : f32
    %sub3A_836 = vector.broadcast %sub3A_835 : f32 to vector<16xf32>
    %sub3A_837 = arith.subf %mul3A_834, %sub3A_836 : vector<16xf32>
    %swap3A_838 = arith.constant 432 : index
    %swap3A_839 = tpu.vector_load %arg5[%swap3A_838] {strides = array<i32>} : memref<544xf32, #tpu.memory_space<vmem>>, vector<16xf32>,
    %swap3A_840 = vector.shape_cast %swap3A_839 : vector<16xf32> to vector<16xf32>
    %swap3A_841 = vector.shape_cast %sub3A_837 : vector<16xf32> to vector<16xf32>
    tpu.vector_store %arg5[%swap3A_838], %swap3A_841 {strides = array<i32>} : memref<544xf32, #tpu.memory_space<vmem>>, vector<16xf32>,
    %get3A_842 = arith.constant 448 : index
    %get3A_843 = tpu.vector_load %arg5[%get3A_842] {strides = array<i32>} : memref<544xf32, #tpu.memory_space<vmem>>, vector<16xf32>,
    %get3A_844 = vector.shape_cast %get3A_843 : vector<16xf32> to vector<16xf32>
    %mul3A_845 = arith.constant 1.200000e+01 : f32
    %mul3A_846 = vector.broadcast %mul3A_845 : f32 to vector<16xf32>
    %mul3A_847 = arith.mulf %get3A_844, %mul3A_846 : vector<16xf32>
    %sub3A_848 = arith.constant 6.000000e+00 : f32
    %sub3A_849 = vector.broadcast %sub3A_848 : f32 to vector<16xf32>
    %sub3A_850 = arith.subf %mul3A_847, %sub3A_849 : vector<16xf32>
    %swap3A_851 = arith.constant 448 : index
    %swap3A_852 = tpu.vector_load %arg5[%swap3A_851] {strides = array<i32>} : memref<544xf32, #tpu.memory_space<vmem>>, vector<16xf32>,
    %swap3A_853 = vector.shape_cast %swap3A_852 : vector<16xf32> to vector<16xf32>
    %swap3A_854 = vector.shape_cast %sub3A_850 : vector<16xf32> to vector<16xf32>
    tpu.vector_store %arg5[%swap3A_851], %swap3A_854 {strides = array<i32>} : memref<544xf32, #tpu.memory_space<vmem>>, vector<16xf32>,
    %get3A_855 = arith.constant 464 : index
    %get3A_856 = tpu.vector_load %arg5[%get3A_855] {strides = array<i32>} : memref<544xf32, #tpu.memory_space<vmem>>, vector<16xf32>,
    %get3A_857 = vector.shape_cast %get3A_856 : vector<16xf32> to vector<16xf32>
    %mul3A_858 = arith.constant 1.200000e+01 : f32
    %mul3A_859 = vector.broadcast %mul3A_858 : f32 to vector<16xf32>
    %mul3A_860 = arith.mulf %get3A_857, %mul3A_859 : vector<16xf32>
    %sub3A_861 = arith.constant 6.000000e+00 : f32
    %sub3A_862 = vector.broadcast %sub3A_861 : f32 to vector<16xf32>
    %sub3A_863 = arith.subf %mul3A_860, %sub3A_862 : vector<16xf32>
    %swap3A_864 = arith.constant 464 : index
    %swap3A_865 = tpu.vector_load %arg5[%swap3A_864] {strides = array<i32>} : memref<544xf32, #tpu.memory_space<vmem>>, vector<16xf32>,
    %swap3A_866 = vector.shape_cast %swap3A_865 : vector<16xf32> to vector<16xf32>
    %swap3A_867 = vector.shape_cast %sub3A_863 : vector<16xf32> to vector<16xf32>
    tpu.vector_store %arg5[%swap3A_864], %swap3A_867 {strides = array<i32>} : memref<544xf32, #tpu.memory_space<vmem>>, vector<16xf32>,
    %get3A_868 = arith.constant 480 : index
    %get3A_869 = tpu.vector_load %arg5[%get3A_868] {strides = array<i32>} : memref<544xf32, #tpu.memory_space<vmem>>, vector<16xf32>,
    %get3A_870 = vector.shape_cast %get3A_869 : vector<16xf32> to vector<16xf32>
    %mul3A_871 = arith.constant 1.200000e+01 : f32
    %mul3A_872 = vector.broadcast %mul3A_871 : f32 to vector<16xf32>
    %mul3A_873 = arith.mulf %get3A_870, %mul3A_872 : vector<16xf32>
    %sub3A_874 = arith.constant 6.000000e+00 : f32
    %sub3A_875 = vector.broadcast %sub3A_874 : f32 to vector<16xf32>
    %sub3A_876 = arith.subf %mul3A_873, %sub3A_875 : vector<16xf32>
    %swap3A_877 = arith.constant 480 : index
    %swap3A_878 = tpu.vector_load %arg5[%swap3A_877] {strides = array<i32>} : memref<544xf32, #tpu.memory_space<vmem>>, vector<16xf32>,
    %swap3A_879 = vector.shape_cast %swap3A_878 : vector<16xf32> to vector<16xf32>
    %swap3A_880 = vector.shape_cast %sub3A_876 : vector<16xf32> to vector<16xf32>
    tpu.vector_store %arg5[%swap3A_877], %swap3A_880 {strides = array<i32>} : memref<544xf32, #tpu.memory_space<vmem>>, vector<16xf32>,
    %get3A_881 = arith.constant 496 : index
    %get3A_882 = tpu.vector_load %arg5[%get3A_881] {strides = array<i32>} : memref<544xf32, #tpu.memory_space<vmem>>, vector<16xf32>,
    %get3A_883 = vector.shape_cast %get3A_882 : vector<16xf32> to vector<16xf32>
    %mul3A_884 = arith.constant 1.200000e+01 : f32
    %mul3A_885 = vector.broadcast %mul3A_884 : f32 to vector<16xf32>
    %mul3A_886 = arith.mulf %get3A_883, %mul3A_885 : vector<16xf32>
    %sub3A_887 = arith.constant 6.000000e+00 : f32
    %sub3A_888 = vector.broadcast %sub3A_887 : f32 to vector<16xf32>
    %sub3A_889 = arith.subf %mul3A_886, %sub3A_888 : vector<16xf32>
    %swap3A_890 = arith.constant 496 : index
    %swap3A_891 = tpu.vector_load %arg5[%swap3A_890] {strides = array<i32>} : memref<544xf32, #tpu.memory_space<vmem>>, vector<16xf32>,
    %swap3A_892 = vector.shape_cast %swap3A_891 : vector<16xf32> to vector<16xf32>
    %swap3A_893 = vector.shape_cast %sub3A_889 : vector<16xf32> to vector<16xf32>
    tpu.vector_store %arg5[%swap3A_890], %swap3A_893 {strides = array<i32>} : memref<544xf32, #tpu.memory_space<vmem>>, vector<16xf32>,
    %get3A_894 = arith.constant 512 : index
    %get3A_895 = tpu.vector_load %arg5[%get3A_894] {strides = array<i32>} : memref<544xf32, #tpu.memory_space<vmem>>, vector<16xf32>,
    %get3A_896 = vector.shape_cast %get3A_895 : vector<16xf32> to vector<16xf32>
    %mul3A_897 = arith.constant 1.200000e+01 : f32
    %mul3A_898 = vector.broadcast %mul3A_897 : f32 to vector<16xf32>
    %mul3A_899 = arith.mulf %get3A_896, %mul3A_898 : vector<16xf32>
    %sub3A_900 = arith.constant 6.000000e+00 : f32
    %sub3A_901 = vector.broadcast %sub3A_900 : f32 to vector<16xf32>
    %sub3A_902 = arith.subf %mul3A_899, %sub3A_901 : vector<16xf32>
    %swap3A_903 = arith.constant 512 : index
    %swap3A_904 = tpu.vector_load %arg5[%swap3A_903] {strides = array<i32>} : memref<544xf32, #tpu.memory_space<vmem>>, vector<16xf32>,
    %swap3A_905 = vector.shape_cast %swap3A_904 : vector<16xf32> to vector<16xf32>
    %swap3A_906 = vector.shape_cast %sub3A_902 : vector<16xf32> to vector<16xf32>
    tpu.vector_store %arg5[%swap3A_903], %swap3A_906 {strides = array<i32>} : memref<544xf32, #tpu.memory_space<vmem>>, vector<16xf32>,
    %get3A_907 = arith.constant 528 : index
    %get3A_908 = tpu.vector_load %arg5[%get3A_907] {strides = array<i32>} : memref<544xf32, #tpu.memory_space<vmem>>, vector<16xf32>,
    %get3A_909 = vector.shape_cast %get3A_908 : vector<16xf32> to vector<16xf32>
    %mul3A_910 = arith.constant 1.200000e+01 : f32
    %mul3A_911 = vector.broadcast %mul3A_910 : f32 to vector<16xf32>
    %mul3A_912 = arith.mulf %get3A_909, %mul3A_911 : vector<16xf32>
    %sub3A_913 = arith.constant 6.000000e+00 : f32
    %sub3A_914 = vector.broadcast %sub3A_913 : f32 to vector<16xf32>
    %sub3A_915 = arith.subf %mul3A_912, %sub3A_914 : vector<16xf32>
    %swap3A_916 = arith.constant 528 : index
    %swap3A_917 = tpu.vector_load %arg5[%swap3A_916] {strides = array<i32>} : memref<544xf32, #tpu.memory_space<vmem>>, vector<16xf32>,
    %swap3A_918 = vector.shape_cast %swap3A_917 : vector<16xf32> to vector<16xf32>
    %swap3A_919 = vector.shape_cast %sub3A_915 : vector<16xf32> to vector<16xf32>
    tpu.vector_store %arg5[%swap3A_916], %swap3A_919 {strides = array<i32>} : memref<544xf32, #tpu.memory_space<vmem>>, vector<16xf32>,
    "tpu.region"() ({
      %run_scoped3A = tpu.sem_alloc : memref<!tpu.dma_semaphore, #tpu.memory_space<semaphore_mem>>
      %dma_start3A_920 = arith.constant 0 : i32
      %dma_start3A_921 = tpu.memref_slice %arg3[%add3A, %dma_start3A_920] : memref<32x544xf32, #tpu.memory_space<hbm>> -> memref<1x544xf32, #tpu.memory_space<hbm>>
      %dma_start3A_922 = tpu.memref_squeeze %dma_start3A_921 : memref<1x544xf32, #tpu.memory_space<hbm>> -> memref<544xf32, #tpu.memory_space<hbm>>
      %dma_start3A_923 = arith.constant 0 : i32
      %dma_start3A_924 = tpu.memref_slice %arg3[%add3A, %dma_start3A_923] : memref<32x544xf32, #tpu.memory_space<hbm>> -> memref<1x544xf32, #tpu.memory_space<hbm>>
      %dma_start3A_925 = tpu.memref_squeeze %dma_start3A_924 : memref<1x544xf32, #tpu.memory_space<hbm>> -> memref<544xf32, #tpu.memory_space<hbm>>
      tpu.enqueue_dma source(%arg5 : memref<544xf32, #tpu.memory_space<vmem>>) target(%dma_start3A_925 : memref<544xf32, #tpu.memory_space<hbm>>) target_semaphore(%run_scoped3A : memref<!tpu.dma_semaphore, #tpu.memory_space<semaphore_mem>>)
      %dma_wait3A_926 = arith.constant 0 : i32
      %dma_wait3A_927 = tpu.memref_slice %arg3[%add3A, %dma_wait3A_926] : memref<32x544xf32, #tpu.memory_space<hbm>> -> memref<1x544xf32, #tpu.memory_space<hbm>>
      %dma_wait3A_928 = tpu.memref_squeeze %dma_wait3A_927 : memref<1x544xf32, #tpu.memory_space<hbm>> -> memref<544xf32, #tpu.memory_space<hbm>>
      %dma_wait3A_929 = arith.constant 0 : i32
      %dma_wait3A_930 = tpu.memref_slice %arg3[%add3A, %dma_wait3A_929] : memref<32x544xf32, #tpu.memory_space<hbm>> -> memref<1x544xf32, #tpu.memory_space<hbm>>
      %dma_wait3A_931 = tpu.memref_squeeze %dma_wait3A_930 : memref<1x544xf32, #tpu.memory_space<hbm>> -> memref<544xf32, #tpu.memory_space<hbm>>
      tpu.wait_dma2 semaphore(%run_scoped3A : memref<!tpu.dma_semaphore, #tpu.memory_space<semaphore_mem>>) src(%arg5 : memref<544xf32, #tpu.memory_space<vmem>>) dst(%dma_wait3A_931 : memref<544xf32, #tpu.memory_space<hbm>>)
      tpu.yield
    }) : () -> ()
    return
  }
}

</mosaic_0001>

<sc_bundles>
// kernel: kernel.3.cloned.1.call-start
scs
__scs_entry_jumppad:
0x0: {  	(pc) =	sbr.rel $0x88, $3  }
0x1: {  	(tag) =	ssettag $0x0;
	lr =	simm.s32 $0x1  }
0x2: {  	[smem:$0x3FA0] =	sst lr;
	_ =	strace $0xD0000000  }
0x3: {  	_ = 	snop  }
0x4: {  	_ = 	snop  }
0x5: {  	_ = 	snop  }
0x6: {  	_ = 	snop  }
0x7: {  	_ = 	snop  }
__scs_overlays_trampoline_lowered:
0x8: {  	[smem:$0x3FAF] =	sst s0  }
0x9: {  	[smem:$0x3FB0] =	sst s1  }
0xa: {  	[smem:$0x3FB1] =	sst s2  }
0xb: {  	[smem:$0x3FB2] =	sst s3  }
0xc: {  	[smem:$0x3FB3] =	sst s4  }
0xd: {  	[smem:$0x3FB4] =	sst s5  }
0xe: {  	[smem:$0x3FB5] =	sst s6  }
0xf: {  	[smem:$0x3FB6] =	sst s7  }
0x10: {  	[smem:$0x3FB7] =	sst s8  }
0x11: {  	[smem:$0x3FB8] =	sst s9;
	s0 =	simm.s32 @!p0 $0x0  }
0x12: {  	s1 =	sld [smem:$0x3F9E];
	s0 =	simm.s32 @p0 $0x1  }
0x13: {  	[smem:$0x3FB9] =	sst s0;
	s0 =	simm.s32 @!p1 $0x0  }
0x14: {  	s2 =	sld [smem:$0x3F9D];
	s0 =	simm.s32 @p1 $0x1  }
0x15: {  	[smem:$0x3FBA] =	sst s0;
	s0 =	simm.s32 @!p2 $0x0  }
0x16: {  	s3 =	sld [smem:$0x3FDB];
	s0 =	simm.s32 @p2 $0x1  }
0x17: {  	s4 =	simm.s32 $0x1BF5;
	[smem:$0x3FBC] =	sst s0  }
0x18: {  	s0 =	sld [smem:$0x3F9F];
	_ =	swait.ge [sflag:s4], $0x0  }
0x19: {  	s7 =	sld [smem:$0x3FA0]  }
0x1a: {  	s8 =	sadd.s32 $0xFFFFE003, lr  }
0x1b: {  	s9 =	sadd.s32 $0xFFFFFEF7, lr;
	s5 =	simm.s32 $0xFFFFFFFF;
	p2 =	slt.u32 s8, $0xFFFFF086  }
0x1c: {  	p1 =	slt.u32 s9, $0xF7A;
	s5 =	simm.s32 @!p2 $0x0  }
0x1d: {  	s5 =	simm.s32 @p1 $0x1;
	p0 =	seq.s32 s7, s2  }
0x1e: {  	s7 =	smul.u32 @!p0 $0xF7A, s2;
	p2 =	seq.s32 @!p0 s5, $0x0  }
0x1f: {  	s9 =	smul.u32 $0xF7A, s1;
	s8 =	simm.s32 @!p0 $0x1BF5;
	p2 =	por !p2, p0  }
0x20: {  	[sflag:s8] =	ssyncset.s32 @!p0 $0xFFFFF086;
	s6 =	sadd.s32 @!p0 s3, s7;
	s7 =	simm.s32 @!p0 $0x108  }
0x21: {  	s3 =	sadd.s32 s3, s9;
	s6 =	sadd.s32 @!p0 $0x88, s6;
	s7 =	simm.s32 @p2 $0x1082  }
0x22: {  	[simem:s7], [sflag:s8] =	dma.local @!p0 [hbm:s6], $0xF7A  }
0x23: {  	s9 =	sor.u32 $0xD0000000, s2;
	s6 =	simm.s32 $0x108;
	_ =	swait.ge @!p0 [sflag:s8], $0x0  }
0x24: {  	s3 =	sadd.s32 $0x88, s3;
	s6 =	simm.s32 @!p1 $0x1082;
	[sflag:s4] =	ssyncset.s32 $0xFFFFF086  }
0x25: {  	[simem:s6], [sflag:s4] =	dma.local [hbm:s3], $0xF7A  }
0x26: {  	[smem:$0x3FA0] =	sst s1;
	(tag) =	ssettag s2;
	_ =	strace s9  }
0x27: {  	s1 =	sld [smem:$0x3FB0]  }
0x28: {  	s2 =	sld [smem:$0x3FB1]  }
0x29: {  	s4 =	sld [smem:$0x3FB3]  }
0x2a: {  	p0 =	seq.s32 s5, $0x0;
	s5 =	sld [smem:$0x3FB4]  }
0x2b: {  	s6 =	sld [smem:$0x3FB5]  }
0x2c: {  	s7 =	sld [smem:$0x3FB6]  }
0x2d: {  	s3 =	simm.s32 $0x108;
	s8 =	sld [smem:$0x3FB7]  }
0x2e: {  	s3 =	simm.s32 @!p0 $0x1082;
	s9 =	sld [smem:$0x3FB8]  }
0x2f: {  	lr =	sadd.s32 s0, s3;
	s0 =	sld [smem:$0x3FAF]  }
0x30: {  	s3 =	sld [smem:$0x3FB2]  }
0x31: {  	[smem:$0x3FBB] =	sst s10  }
0x32: {  	s10 =	sld [smem:$0x3FB9];
	_ =	sdelay $0x3  }
0x33: {  	p0 =	seq.s32 s10, $0x1;
	s10 =	sld [smem:$0x3FBB];
	_ =	sdelay $0x3  }
0x34: {  	[smem:$0x3FBB] =	sst s10  }
0x35: {  	s10 =	sld [smem:$0x3FBA];
	_ =	sdelay $0x3  }
0x36: {  	p1 =	seq.s32 s10, $0x1;
	s10 =	sld [smem:$0x3FBB];
	_ =	sdelay $0x3  }
0x37: {  	[smem:$0x3FBB] =	sst s10  }
0x38: {  	s10 =	sld [smem:$0x3FBC]  }
0x39: {  	_ = 	snop;
	(pc) =	sbr.ind lr, $3  }
0x3a: {  	_ = 	snop  }
0x3b: {  	_ = 	snop  }
0x3c: {  	p2 =	seq.s32 s10, $0x1;
	s10 =	sld [smem:$0x3FBB]  }
0x3d: {  	_ =	shalt  }
0x3e: {  	_ =	shalt  }
0x3f: {  	_ =	shalt  }
0x40: {  	_ =	shalt  }
0x41: {  	_ =	shalt  }
0x42: {  	_ =	shalt  }
0x43: {  	_ =	shalt  }
0x44: {  	_ =	shalt  }
0x45: {  	_ =	shalt  }
0x46: {  	_ =	shalt  }
0x47: {  	_ =	shalt  }
0x48: {  	_ =	shalt  }
0x49: {  	_ =	shalt  }
0x4a: {  	_ =	shalt  }
0x4b: {  	_ =	shalt  }
0x4c: {  	_ =	shalt  }
0x4d: {  	_ =	shalt  }
0x4e: {  	_ =	shalt  }
0x4f: {  	_ =	shalt  }
0x50: {  	_ =	shalt  }
0x51: {  	_ =	shalt  }
0x52: {  	_ =	shalt  }
0x53: {  	_ =	shalt  }
0x54: {  	_ =	shalt  }
0x55: {  	_ =	shalt  }
0x56: {  	_ =	shalt  }
0x57: {  	_ =	shalt  }
0x58: {  	_ =	shalt  }
0x59: {  	_ =	shalt  }
0x5a: {  	_ =	shalt  }
0x5b: {  	_ =	shalt  }
0x5c: {  	_ =	shalt  }
0x5d: {  	_ =	shalt  }
0x5e: {  	_ =	shalt  }
0x5f: {  	_ =	shalt  }
0x60: {  	_ =	shalt  }
0x61: {  	_ =	shalt  }
0x62: {  	_ =	shalt  }
0x63: {  	_ =	shalt  }
0x64: {  	_ =	shalt  }
0x65: {  	_ =	shalt  }
0x66: {  	_ =	shalt  }
0x67: {  	_ =	shalt  }
0x68: {  	_ =	shalt  }
0x69: {  	_ =	shalt  }
0x6a: {  	_ =	shalt  }
0x6b: {  	_ =	shalt  }
0x6c: {  	_ =	shalt  }
0x6d: {  	_ =	shalt  }
0x6e: {  	_ =	shalt  }
0x6f: {  	_ =	shalt  }
0x70: {  	_ =	shalt  }
0x71: {  	_ =	shalt  }
0x72: {  	_ =	shalt  }
0x73: {  	_ =	shalt  }
0x74: {  	_ =	shalt  }
0x75: {  	_ =	shalt  }
0x76: {  	_ =	shalt  }
0x77: {  	_ =	shalt  }
0x78: {  	_ =	shalt  }
0x79: {  	_ =	shalt  }
0x7a: {  	_ =	shalt  }
0x7b: {  	_ =	shalt  }
0x7c: {  	_ =	shalt  }
0x7d: {  	_ =	shalt  }
0x7e: {  	_ =	shalt  }
0x7f: {  	_ =	shalt  }
0x80: {  	_ =	shalt  }
0x81: {  	_ =	shalt  }
0x82: {  	_ =	shalt  }
0x83: {  	_ =	shalt  }
0x84: {  	_ =	shalt  }
0x85: {  	_ =	shalt  }
0x86: {  	_ =	shalt  }
0x87: {  	_ =	shalt  }
.Lfunc_end0:
.L_simem_size_0:
called_computation_lowered:
.L_overlay_start_0:
0x88: {  	s2 =	sld [smem:$0x3FD9]  }
0x89: {  	s3 =	sld [smem:$0x3FFE];
	_ =	sdelay $0x1  }
0x8a: {  	s1 =	srdreg.scid  }
0x8b: {  	s0 =	sand.u32 $0x1, s1  }
0x8c: {  	s17 =	sshll.u32 s0, $0xA;
	s2 =	sadd.s32 s3, s2  }
0x8d: {  	s2 =	sadd.s32 s2, s17  }
0x8e: {  	[smem:$0x3FC7] =	sst s2  }
0x8f: {  	_ = 	snop  }
0x90: {  	s2 =	sld [smem:$0x3FD0];
	(tm) =	ssettm $0x1  }
0x91: {  	s18 =	sld [smem:$0x3FFB];
	_ =	sdelay $0x3  }
0x92: {  	_ =	strace s18  }
0x93: {  	s3 =	sld [smem:$0x3FFC];
	_ =	sdelay $0x3  }
0x94: {  	_ =	strace s3  }
0x95: {  	s3 =	sld [smem:$0x3FFD];
	_ =	sdelay $0x3  }
0x96: {  	_ =	strace s3  }
0x97: {  	_ =	strace $0x8FFFFFFF  }
0x98: {  	s19 =	sld [smem:$0x3FDB];
	_ =	sdelay $0x1  }
0x99: {  	s4 =	simm.s32 $_scs_section_size  }
0x9a: {  	s5 =	simm.s32 $_size__tile_overlayer_lowered;
	s6 =	simm.s32 $_tile_overlayer_lowered  }
0x9b: {  	s22 =	simm.s32 $0x1BFF;
	s21 =	sshll.u32 s6, $0x1;
	s3 =	sadd.s32 s4, s19  }
0x9c: {  	s7 =	simm.s32 $0x0;
	s20 =	sshll.u32 s5, $0x1;
	s5 =	sadd.s32 s21, s3  }
0x9d: {  	[timem:s7], [sflag:s22] =	dma.local [hbm:s5], s20  }
0x9e: {  	_ =	swait.ge [sflag:s22], s20  }
0x9f: {  	s4 =	ssub.s32 $0x0, s20;
	[sflag:s22] =	ssyncset.done $0x0  }
0xa0: {  	[sflag:s22] =	ssyncadd.s32 s4;
	_ =	sdelay $0x1  }
0xa1: {  	s23 =	simm.s32 $0x1B8B  }
0xa2: {  	_ =	swait.ge [sflag:s23], $0x1  }
0xa3: {  	[sflag:s23] =	ssyncset.done $0x0  }
0xa4: {  	s25 =	simm.s32 $0x1B8E;
	s24 =	sld [smem:$0x3FFE];
	[sflag:s23] =	ssyncadd.s32 $0xFFFFFFFF  }
0xa5: {  	s26 =	simm.s32 $execute0_lowered;
	[smem:$0x3FD2] =	sst s25  }
0xa6: {  	s5 =	sshll.u32 s26, $0x1;
	_ =	strace $0x80000046;
	[dreg:$0x1] =	wrdreg $0xFFFFFFFF  }
0xa7: {  	s28 =	simm.s32 $_size_execute0_lowered;
	s3 =	sadd.s32 s3, s5;
	[dreg:$0x0] =	wrdreg $0x0  }
0xa8: {  	s5 =	sshll.u32 s28, $0x1;
	[dreg:$0x2] =	wrdreg s3  }
0xa9: {  	[dreg:$0x3] =	wrdreg s5  }
0xaa: {  	[dreg:$0x4] =	wrdreg $0xC0  }
0xab: {  	_ =	task [dreg:s7], $0x5FFFF  }
0xac: {  	[dreg:$0x1] =	wrdreg $0xFFFFFFFF  }
0xad: {  	[dreg:$0x0] =	wrdreg $0x60  }
0xae: {  	[dreg:$0x2] =	wrdreg s24  }
0xaf: {  	[dreg:$0x3] =	wrdreg s2  }
0xb0: {  	[dreg:$0x4] =	wrdreg $0x9  }
0xb1: {  	_ =	task.clear_ibuf [dreg:s7], $0x5FFFF;
	_ =	strace $0x90000046  }
0xb2: {  	s29 =	simm.s32 $0x9;
	_ =	strace $0x80000048  }
0xb3: {  	_ =	swait.ge [sflag:s29], $0x1  }
0xb4: {  	[sflag:s29] =	ssyncadd.s32 $0xFFFFFFFF  }
0xb5: {  	_ =	strace $0x90000048  }
0xb6: {  	_ =	sfence  }
0xb7: {  	s30 =	sld [smem:$0x0];
	_ =	sdelay $0x2  }
0xb8: {  	s31 =	sshll.u32 s1, $0xD;
	s1 =	sshrl.u32 s1, $0x2  }
0xb9: {  	s3 =	sand.u32 $0x4000, s31;
	s1 =	sadd.s32 s1, s30  }
0xba: {  	s0 =	sor.u32 s3, s0;
	s1 =	sshll.u32 s1, $0x11  }
0xbb: {  	s0 =	sor.u32 s1, s0  }
0xbc: {  	s0 =	sadd.s32 $0x8F2B, s0  }
0xbd: {  	[sflag:s0] =	ssyncadd.remote.s32 $0x1  }
0xbe: {  	_ =	sfence.sel $0xFFFF  }
0xbf: {  	[dreg:$0x0] =	wrdreg $0xFFFFFFFF;
	(pc) =	sbr.abs _section_cstart, $3  }
0xc0: {  	[dreg:$0x1] =	wrdreg $0xFFFFFFFF  }
0xc1: {  	_ =	task.clear_ibuf [dreg:s7], $0x2FFFF;
	_ =	strace $0x9FFFFFFF  }
0xc2: {  	(tm) =	ssettm $0x7FFFFFFF  }
0xc3: {  	_ =	shalt  }
tec
execute0_lowered:
.L_overlay_start_1:
0x0: {  	(tag) =	ssettag $0x1  }
0x1: {  	s1 =	srdreg.scid;
	s0 =	stileid.u32  }
0x2: {  	s5 =	sand.u32 $0x1, s1;
	s30 =	sshll.u32 s0, $0x1  }
0x3: {  	s6 =	sor.u32 s5, s30  }
0x4: {  	s1 =	sshll.u32 s6, $0x5  }
0x5: {  	v1 =	vmov s1  }
0x6: {  	v2 =	vlaneseq.u32;
	v1 =	vmul.u32 $0x186A0, v1  }
0x7: {  	v31 =	vmul.u32 $0x186A0, v2  }
0x8: {  	s31 =	rddreg [dreg:$0x0];
	v33 =	vbroadcast v1, $0x0  }
0x9: {  	s4 =	rddreg [dreg:$0x1];
	s3 =	simm.s32 $0x0;
	v2 =	vor.u32 $0x2, v31  }
0xa: {  	[smem:$0x7FF] =	sst s3;
	v4 =	vor.u32 $0x4, v31;
	v1 =	vadd.s32 v2, v33  }
0xb: {  	v6 =	vor.u32 $0x8, v31;
	s2 =	sor.u32 $0x10, s1;
	s1 =	rddreg [dreg:$0x2];
	_ =	strace $0x80000047;
	v3 =	vadd.s32 v4, v33;
	[tilespmem:$0x20] =	vst v1  }
0xc: {  	v8 =	vor.u32 $0x10, v31;
	v5 =	vadd.s32 v6, v33;
	[tilespmem:$0x40] =	vst v3  }
0xd: {  	v10 =	vadd.s32 $0x20, v31;
	v7 =	vadd.s32 v8, v33;
	[tilespmem:$0x60] =	vst v5  }
0xe: {  	v12 =	vadd.s32 $0x40, v31;
	v9 =	vadd.s32 v10, v33;
	[tilespmem:$0x80] =	vst v7  }
0xf: {  	v14 =	vadd.s32 $0x80, v31;
	v11 =	vadd.s32 v12, v33;
	[tilespmem:$0xA0] =	vst v9  }
0x10: {  	v16 =	vadd.s32 $0x100, v31;
	v13 =	vadd.s32 v14, v33;
	[tilespmem:$0xC0] =	vst v11  }
0x11: {  	v18 =	vadd.s32 $0x200, v31;
	v15 =	vadd.s32 v16, v33;
	[tilespmem:$0xE0] =	vst v13  }
0x12: {  	v20 =	vadd.s32 $0x400, v31;
	v17 =	vadd.s32 v18, v33;
	[tilespmem:$0x100] =	vst v15  }
0x13: {  	v22 =	vadd.s32 $0x800, v31;
	v19 =	vadd.s32 v20, v33;
	[tilespmem:$0x120] =	vst v17  }
0x14: {  	v24 =	vadd.s32 $0x1000, v31;
	v21 =	vadd.s32 v22, v33;
	[tilespmem:$0x140] =	vst v19  }
0x15: {  	v26 =	vadd.s32 $0x2000, v31;
	v23 =	vadd.s32 v24, v33;
	[tilespmem:$0x160] =	vst v21  }
0x16: {  	v28 =	vadd.s32 $0x4000, v31;
	v0 =	vmov s2;
	v25 =	vadd.s32 v26, v33;
	[tilespmem:$0x180] =	vst v23  }
0x17: {  	v30 =	vadd.s32 $0x8000, v31;
	v0 =	vmul.u32 $0x186A0, v0;
	v27 =	vadd.s32 v28, v33;
	[tilespmem:$0x1A0] =	vst v25  }
0x18: {  	v35 =	vadd.s32 $0x10000, v31;
	v29 =	vadd.s32 v30, v33;
	[tilespmem:$0x1C0] =	vst v27  }
0x19: {  	v34 =	vor.u32 $0x1, v31;
	v32 =	vbroadcast v0, $0x0;
	v31 =	vadd.s32 v35, v33;
	[tilespmem:$0x1E0] =	vst v29  }
0x1a: {  	v33 =	vadd.s32 v34, v33;
	[tilespmem:$0x200] =	vst v31  }
0x1b: {  	v0 =	vadd.s32 v34, v32;
	[tilespmem:$0x0] =	vst v33  }
0x1c: {  	v2 =	vadd.s32 v2, v32;
	[tilespmem:$0x10] =	vst v0  }
0x1d: {  	v4 =	vadd.s32 v4, v32;
	[tilespmem:$0x30] =	vst v2  }
0x1e: {  	v6 =	vadd.s32 v6, v32;
	[tilespmem:$0x50] =	vst v4  }
0x1f: {  	v8 =	vadd.s32 v8, v32;
	[tilespmem:$0x70] =	vst v6  }
0x20: {  	v10 =	vadd.s32 v10, v32;
	[tilespmem:$0x90] =	vst v8  }
0x21: {  	v12 =	vadd.s32 v12, v32;
	[tilespmem:$0xB0] =	vst v10  }
0x22: {  	v14 =	vadd.s32 v14, v32;
	[tilespmem:$0xD0] =	vst v12  }
0x23: {  	v16 =	vadd.s32 v16, v32;
	[tilespmem:$0xF0] =	vst v14  }
0x24: {  	v18 =	vadd.s32 v18, v32;
	[tilespmem:$0x110] =	vst v16  }
0x25: {  	v20 =	vadd.s32 v20, v32;
	[tilespmem:$0x130] =	vst v18  }
0x26: {  	v22 =	vadd.s32 v22, v32;
	[tilespmem:$0x150] =	vst v20  }
0x27: {  	v24 =	vadd.s32 v24, v32;
	[tilespmem:$0x170] =	vst v22  }
0x28: {  	v26 =	vadd.s32 v26, v32;
	[tilespmem:$0x190] =	vst v24  }
0x29: {  	v28 =	vadd.s32 v28, v32;
	[tilespmem:$0x1B0] =	vst v26  }
0x2a: {  	v30 =	vadd.s32 v30, v32;
	[tilespmem:$0x1D0] =	vst v28  }
0x2b: {  	s9 =	simm.s32 $0x220;
	v32 =	vadd.s32 v35, v32;
	[tilespmem:$0x1F0] =	vst v30  }
0x2c: {  	s10 =	simm.s32 $0x1;
	s8 =	sadd.s32 $0xC38400, s31;
	s2 =	simm.s32 $0x280;
	[tilespmem:$0x210] =	vst v32  }
0x2d: {  	[tilespmem:s2], [sflag:$0x1] =	stream.indirect.gather [hbm4b:s8+s9], $0x1, s3, s9, $0xb8;
	[tilespmem:$0x500] =	vst v63  }
0x2e: {  	_ =	swait.ge [sflag:s10], $0x220  }
0x2f: {  	[sflag:s10] =	ssyncset.done $0x0  }
0x30: {  	[sflag:s10] =	ssyncadd.s32 $0xFFFFFDE0  }
0x31: {  	v62 =	vld [tilespmem:$0x280]  }
0x32: {  	v37 =	vld [tilespmem:$0x370]  }
0x33: {  	s5 =	ssub.s32 $0x2, s5;
	v63 =	vld [tilespmem:$0x300]  }
0x34: {  	s11 =	sshrl.u32 s5, $0x1;
	v36 =	vld [tilespmem:$0x380]  }
0x35: {  	s5 =	ssub.s32 s5, s11;
	v38 =	vld [tilespmem:$0x2F0]  }
0x36: {  	s7 =	sshrl.u32 s0, $0x2;
	s11 =	smax.u32 s5, $0x1;
	v39 =	vld [tilespmem:$0x350]  }
0x37: {  	s7 =	smul.u32 $0x1400, s7;
	p0 =	sne.s32 s11, $0x1;
	v43 =	vld [tilespmem:$0x360]  }
.Ltmp0:
0x38: {  	s6 =	sshll.u32 s6, $0x7;
	v34 =	vld [tilespmem:$0x460];
	v41 =	vmul.f32 $1.200000000e+01, v62;
	(pc) =	sbr.rel @!p0 .LBB2_2-.Ltmp0, $4  }
0x39: {  	s6 =	sand.u32 $0x380, s6;
	v40 =	vld [tilespmem:$0x2B0];
	v42 =	vmul.f32 $1.200000000e+01, v36  }
0x3a: {  	s6 =	sor.u32 s7, s6;
	v36 =	vld [tilespmem:$0x2A0];
	v45 =	vmul.f32 $1.200000000e+01, v38;
	v46 =	vmul.f32 $1.200000000e+01, v63;
	v44 =	vadd.f32 $-6.000000000e+00, v41  }
0x3b: {  	s5 =	simm.s32 $0x80;
	s7 =	simm.s32 $0x400;
	s6 =	sshrl.u32 s6, $0x3;
	v35 =	vmul.f32 $1.200000000e+01, v39;
	v41 =	vld [tilespmem:$0x2C0];
	v39 =	vadd.f32 $-6.000000000e+00, v42  }
0x3c: {  	s11 =	sadd.s32 $0xFFFFFFFF, s11;
	s4 =	sadd.s32 s4, s6;
	s6 =	simm.s32 $0x2;
	v38 =	vld [tilespmem:$0x2D0];
	v43 =	vmul.f32 $1.200000000e+01, v43;
	v42 =	vadd.f32 $-6.000000000e+00, v45;
	[tilespmem:$0x280] =	vst v44;
	v44 =	vadd.f32 $-6.000000000e+00, v46  }
.LBB2_1:
0x3d: {  	p0 =	sne.s32 s11, $0x1;
	s11 =	sadd.s32 $0xFFFFFFFF, s11;
	v45 =	vld [tilespmem:$0x2E0]  }
0x3e: {  	v37 =	vmul.f32 $1.200000000e+01, v37;
	[tilespmem:$0x300] =	vst v44;
	v44 =	vld [tilespmem:$0x310];
	v43 =	vadd.f32 $-6.000000000e+00, v43  }
0x3f: {  	v40 =	vmul.f32 $1.200000000e+01, v40;
	v36 =	vmul.f32 $1.200000000e+01, v36;
	[tilespmem:$0x2F0] =	vst v42;
	v42 =	vld [tilespmem:$0x320]  }
0x40: {  	v37 =	vadd.f32 $-6.000000000e+00, v37;
	v41 =	vmul.f32 $1.200000000e+01, v41;
	v46 =	vld [tilespmem:$0x330];
	[tilespmem:$0x360] =	vst v43  }
0x41: {  	v36 =	vadd.f32 $-6.000000000e+00, v36;
	v38 =	vmul.f32 $1.200000000e+01, v38;
	v43 =	vld [tilespmem:$0x340]  }
0x42: {  	v40 =	vadd.f32 $-6.000000000e+00, v40;
	v45 =	vmul.f32 $1.200000000e+01, v45;
	[tilespmem:$0x380] =	vst v39;
	v39 =	vld [tilespmem:$0x390]  }
0x43: {  	v41 =	vadd.f32 $-6.000000000e+00, v41;
	v38 =	vadd.f32 $-6.000000000e+00, v38;
	v44 =	vmul.f32 $1.200000000e+01, v44;
	[tilespmem:$0x370] =	vst v37;
	v37 =	vld [tilespmem:$0x3A0]  }
0x44: {  	[tilespmem:$0x2B0] =	vst v40;
	v40 =	vadd.f32 $-6.000000000e+00, v45;
	v42 =	vmul.f32 $1.200000000e+01, v42;
	v45 =	vld [tilespmem:$0x3B0]  }
0x45: {  	[tilespmem:$0x2C0] =	vst v41;
	v41 =	vadd.f32 $-6.000000000e+00, v44;
	v44 =	vmul.f32 $1.200000000e+01, v46;
	v46 =	vld [tilespmem:$0x3C0]  }
0x46: {  	[tilespmem:$0x2E0] =	vst v40;
	v40 =	vadd.f32 $-6.000000000e+00, v42;
	v42 =	vmul.f32 $1.200000000e+01, v43;
	v43 =	vld [tilespmem:$0x3D0]  }
0x47: {  	[tilespmem:$0x310] =	vst v41;
	v41 =	vadd.f32 $-6.000000000e+00, v44;
	v39 =	vmul.f32 $1.200000000e+01, v39;
	v44 =	vld [tilespmem:$0x3E0]  }
0x48: {  	[tilespmem:$0x320] =	vst v40;
	v40 =	vadd.f32 $-6.000000000e+00, v42;
	v37 =	vmul.f32 $1.200000000e+01, v37;
	v42 =	vld [tilespmem:$0x3F0]  }
0x49: {  	v47 =	vld [tilespmem:$0x290];
	[tilespmem:$0x330] =	vst v41;
	v39 =	vadd.f32 $-6.000000000e+00, v39;
	v41 =	vmul.f32 $1.200000000e+01, v45  }
0x4a: {  	[tilespmem:$0x340] =	vst v40;
	v37 =	vadd.f32 $-6.000000000e+00, v37;
	v40 =	vmul.f32 $1.200000000e+01, v46;
	v45 =	vld [tilespmem:$0x410]  }
0x4b: {  	[tilespmem:$0x390] =	vst v39;
	v39 =	vadd.f32 $-6.000000000e+00, v41;
	v41 =	vmul.f32 $1.200000000e+01, v43;
	v43 =	vld [tilespmem:$0x420]  }
0x4c: {  	[tilespmem:$0x3A0] =	vst v37;
	v37 =	vadd.f32 $-6.000000000e+00, v40;
	v40 =	vmul.f32 $1.200000000e+01, v44;
	v44 =	vld [tilespmem:$0x430]  }
0x4d: {  	[tilespmem:$0x3B0] =	vst v39;
	v39 =	vadd.f32 $-6.000000000e+00, v41;
	v41 =	vmul.f32 $1.200000000e+01, v42;
	v42 =	vld [tilespmem:$0x440]  }
0x4e: {  	v46 =	vmul.f32 $1.200000000e+01, v47;
	[tilespmem:$0x3C0] =	vst v37;
	v37 =	vadd.f32 $-6.000000000e+00, v40;
	v40 =	vld [tilespmem:$0x450]  }
0x4f: {  	v35 =	vadd.f32 $-6.000000000e+00, v35;
	[tilespmem:$0x3D0] =	vst v39;
	v39 =	vadd.f32 $-6.000000000e+00, v41;
	v41 =	vld [tilespmem:$0x400];
	v45 =	vmul.f32 $1.200000000e+01, v45  }
0x50: {  	v46 =	vadd.f32 $-6.000000000e+00, v46;
	[tilespmem:$0x2D0] =	vst v38;
	v38 =	vmul.f32 $1.200000000e+01, v43;
	v43 =	vld [tilespmem:$0x470]  }
0x51: {  	[tilespmem:$0x350] =	vst v35;
	v35 =	vadd.f32 $-6.000000000e+00, v45;
	v44 =	vmul.f32 $1.200000000e+01, v44;
	v45 =	vld [tilespmem:$0x480]  }
0x52: {  	[tilespmem:$0x3E0] =	vst v37;
	v37 =	vadd.f32 $-6.000000000e+00, v38;
	v38 =	vmul.f32 $1.200000000e+01, v42;
	v42 =	vld [tilespmem:$0x490]  }
0x53: {  	[tilespmem:$0x290] =	vst v46;
	v44 =	vadd.f32 $-6.000000000e+00, v44;
	v40 =	vmul.f32 $1.200000000e+01, v40  }
0x54: {  	[tilespmem:$0x2A0] =	vst v36;
	v36 =	vmul.f32 $1.200000000e+01, v41;
	v38 =	vadd.f32 $-6.000000000e+00, v38  }
0x55: {  	[tilespmem:$0x430] =	vst v44;
	v40 =	vadd.f32 $-6.000000000e+00, v40;
	v41 =	vmul.f32 $1.200000000e+01, v43  }
0x56: {  	v34 =	vmul.f32 $1.200000000e+01, v34;
	v36 =	vadd.f32 $-6.000000000e+00, v36;
	[tilespmem:$0x410] =	vst v35;
	v35 =	vmul.f32 $1.200000000e+01, v45  }
0x57: {  	[tilespmem:$0x3F0] =	vst v39;
	v39 =	vadd.f32 $-6.000000000e+00, v41;
	v41 =	vmul.f32 $1.200000000e+01, v42  }
0x58: {  	v34 =	vadd.f32 $-6.000000000e+00, v34;
	[tilespmem:$0x420] =	vst v37;
	v35 =	vadd.f32 $-6.000000000e+00, v35  }
0x59: {  	[tilespmem:$0x470] =	vst v39;
	v37 =	vadd.f32 $-6.000000000e+00, v41  }
0x5a: {  	[tilespmem:$0x460] =	vst v34  }
0x5b: {  	[tilespmem:$0x490] =	vst v37  }
0x5c: {  	[tilespmem:$0x480] =	vst v35  }
0x5d: {  	[tilespmem:$0x440] =	vst v38  }
0x5e: {  	[tilespmem:$0x450] =	vst v40  }
0x5f: {  	[tilespmem:$0x400] =	vst v36  }
0x60: {  	[hbm4b:s4+s5] =	stream.strided.scatter [tilespmem:s2], [sflag:$0x2], $0x280, s7, s5, $0x38;
	[tilespmem:$0x500] =	vst v63  }
0x61: {  	_ =	swait.ge [sflag:s6], $0x280  }
0x62: {  	[sflag:s6] =	ssyncset.done $0x0  }
0x63: {  	[sflag:s6] =	ssyncadd.s32 $0xFFFFFD80  }
0x64: {  	[tilespmem:$0x10] =	vst v0  }
0x65: {  	[tilespmem:$0x20] =	vst v1  }
0x66: {  	[tilespmem:$0x30] =	vst v2  }
0x67: {  	[tilespmem:$0x40] =	vst v3  }
0x68: {  	[tilespmem:$0x50] =	vst v4  }
0x69: {  	[tilespmem:$0x60] =	vst v5  }
0x6a: {  	[tilespmem:$0x70] =	vst v6  }
0x6b: {  	[tilespmem:$0x80] =	vst v7  }
0x6c: {  	[tilespmem:$0x90] =	vst v8  }
0x6d: {  	[tilespmem:$0xA0] =	vst v9  }
0x6e: {  	[tilespmem:$0xB0] =	vst v10  }
0x6f: {  	[tilespmem:$0xC0] =	vst v11  }
0x70: {  	[tilespmem:$0xD0] =	vst v12  }
0x71: {  	[tilespmem:$0xE0] =	vst v13  }
0x72: {  	[tilespmem:$0xF0] =	vst v14  }
0x73: {  	[tilespmem:$0x100] =	vst v15  }
0x74: {  	[tilespmem:$0x110] =	vst v16  }
0x75: {  	[tilespmem:$0x120] =	vst v17  }
0x76: {  	[tilespmem:$0x130] =	vst v18  }
0x77: {  	[tilespmem:$0x140] =	vst v19  }
0x78: {  	[tilespmem:$0x150] =	vst v20  }
0x79: {  	[tilespmem:$0x160] =	vst v21  }
0x7a: {  	[tilespmem:$0x170] =	vst v22  }
0x7b: {  	[tilespmem:$0x180] =	vst v23  }
0x7c: {  	[tilespmem:$0x190] =	vst v24  }
0x7d: {  	[tilespmem:$0x1A0] =	vst v25  }
0x7e: {  	[tilespmem:$0x1B0] =	vst v26  }
0x7f: {  	[tilespmem:$0x1C0] =	vst v27  }
0x80: {  	[tilespmem:$0x1D0] =	vst v28  }
0x81: {  	[tilespmem:$0x1E0] =	vst v29  }
0x82: {  	[tilespmem:$0x1F0] =	vst v30  }
0x83: {  	[tilespmem:$0x200] =	vst v31  }
0x84: {  	[tilespmem:$0x210] =	vst v32  }
0x85: {  	[tilespmem:$0x0] =	vst v33  }
0x86: {  	[tilespmem:s2], [sflag:$0x1] =	stream.indirect.gather [hbm4b:s8+s9], $0x1, s3, s9, $0xb8;
	[tilespmem:$0x500] =	vst v63  }
0x87: {  	_ =	swait.ge [sflag:s10], $0x220  }
0x88: {  	[sflag:s10] =	ssyncset.done $0x0  }
0x89: {  	[sflag:s10] =	ssyncadd.s32 $0xFFFFFDE0  }
0x8a: {  	v34 =	vld [tilespmem:$0x280]  }
0x8b: {  	v37 =	vld [tilespmem:$0x370]  }
0x8c: {  	v35 =	vld [tilespmem:$0x300]  }
0x8d: {  	v36 =	vld [tilespmem:$0x380]  }
0x8e: {  	v38 =	vld [tilespmem:$0x2F0]  }
0x8f: {  	v34 =	vmul.f32 $1.200000000e+01, v34;
	v39 =	vld [tilespmem:$0x350]  }
0x90: {  	v43 =	vld [tilespmem:$0x360]  }
.Ltmp1:
0x91: {  	v41 =	vadd.f32 $-6.000000000e+00, v34;
	v34 =	vld [tilespmem:$0x460];
	(pc) =	sbr.rel @p0 .LBB2_1-.Ltmp1, $4  }
0x92: {  	v40 =	vld [tilespmem:$0x2B0];
	v42 =	vmul.f32 $1.200000000e+01, v36  }
0x93: {  	v45 =	vmul.f32 $1.200000000e+01, v35;
	[tilespmem:$0x280] =	vst v41;
	v36 =	vld [tilespmem:$0x2A0];
	v44 =	vmul.f32 $1.200000000e+01, v38  }
0x94: {  	v41 =	vld [tilespmem:$0x2C0];
	v35 =	vmul.f32 $1.200000000e+01, v39;
	v39 =	vadd.f32 $-6.000000000e+00, v42  }
0x95: {  	v38 =	vld [tilespmem:$0x2D0];
	v42 =	vadd.f32 $-6.000000000e+00, v44;
	v44 =	vadd.f32 $-6.000000000e+00, v45;
	v43 =	vmul.f32 $1.200000000e+01, v43  }
.LBB2_2:
0x96: {  	[tilespmem:$0x380] =	vst v39  }
0x97: {  	v0 =	vld [tilespmem:$0x2E0];
	v3 =	vmul.f32 $1.200000000e+01, v37;
	v48 =	vadd.f32 $-6.000000000e+00, v35;
	[tilespmem:$0x300] =	vst v44  }
0x98: {  	v1 =	vld [tilespmem:$0x310];
	v57 =	vmul.f32 $1.200000000e+01, v34;
	v2 =	vadd.f32 $-6.000000000e+00, v43;
	[tilespmem:$0x2F0] =	vst v42  }
0x99: {  	v4 =	vld [tilespmem:$0x320];
	v5 =	vmul.f32 $1.200000000e+01, v40;
	v20 =	vadd.f32 $-6.000000000e+00, v3;
	[tilespmem:$0x350] =	vst v48  }
0x9a: {  	v6 =	vld [tilespmem:$0x330];
	v59 =	vadd.f32 $-6.000000000e+00, v57;
	v7 =	vmul.f32 $1.200000000e+01, v41;
	[tilespmem:$0x360] =	vst v2  }
0x9b: {  	v21 =	vld [tilespmem:$0x340];
	v5 =	vadd.f32 $-6.000000000e+00, v5;
	[tilespmem:$0x370] =	vst v20;
	v40 =	vmul.f32 $1.200000000e+01, v38  }
0x9c: {  	v8 =	vld [tilespmem:$0x390];
	[tilespmem:$0x460] =	vst v59;
	v0 =	vmul.f32 $1.200000000e+01, v0;
	v7 =	vadd.f32 $-6.000000000e+00, v7  }
0x9d: {  	v22 =	vld [tilespmem:$0x3A0];
	v1 =	vmul.f32 $1.200000000e+01, v1;
	[tilespmem:$0x2B0] =	vst v5;
	v45 =	vadd.f32 $-6.000000000e+00, v40  }
0x9e: {  	v23 =	vld [tilespmem:$0x3B0];
	v4 =	vmul.f32 $1.200000000e+01, v4;
	v0 =	vadd.f32 $-6.000000000e+00, v0;
	[tilespmem:$0x2C0] =	vst v7  }
0x9f: {  	v24 =	vld [tilespmem:$0x3C0];
	v6 =	vmul.f32 $1.200000000e+01, v6;
	v1 =	vadd.f32 $-6.000000000e+00, v1;
	[tilespmem:$0x2D0] =	vst v45  }
0xa0: {  	v52 =	vld [tilespmem:$0x480];
	v3 =	vmul.f32 $1.200000000e+01, v21;
	v25 =	vadd.f32 $-6.000000000e+00, v4;
	[tilespmem:$0x2E0] =	vst v0  }
0xa1: {  	v26 =	vld [tilespmem:$0x3D0];
	v28 =	vmul.f32 $1.200000000e+01, v8;
	v27 =	vadd.f32 $-6.000000000e+00, v6;
	[tilespmem:$0x310] =	vst v1  }
0xa2: {  	v30 =	vld [tilespmem:$0x3E0];
	v2 =	vmul.f32 $1.200000000e+01, v22;
	v29 =	vadd.f32 $-6.000000000e+00, v3;
	[tilespmem:$0x320] =	vst v25  }
0xa3: {  	v32 =	vld [tilespmem:$0x290];
	v5 =	vmul.f32 $1.200000000e+01, v23;
	v31 =	vadd.f32 $-6.000000000e+00, v28;
	[tilespmem:$0x330] =	vst v27  }
0xa4: {  	v37 =	vmul.f32 $1.200000000e+01, v24;
	v33 =	vadd.f32 $-6.000000000e+00, v2;
	[tilespmem:$0x340] =	vst v29  }
0xa5: {  	v42 =	vld [tilespmem:$0x430];
	v58 =	vmul.f32 $1.200000000e+01, v52;
	v39 =	vadd.f32 $-6.000000000e+00, v5;
	[tilespmem:$0x390] =	vst v31  }
0xa6: {  	v43 =	vld [tilespmem:$0x410];
	v4 =	vmul.f32 $1.200000000e+01, v26;
	v41 =	vadd.f32 $-6.000000000e+00, v37;
	[tilespmem:$0x3A0] =	vst v33  }
0xa7: {  	v46 =	vld [tilespmem:$0x3F0];
	v3 =	vmul.f32 $1.200000000e+01, v30;
	v61 =	vadd.f32 $-6.000000000e+00, v58;
	[tilespmem:$0x3B0] =	vst v39  }
0xa8: {  	v47 =	vld [tilespmem:$0x420];
	v6 =	vmul.f32 $1.200000000e+01, v32;
	v44 =	vadd.f32 $-6.000000000e+00, v4;
	[tilespmem:$0x3C0] =	vst v41  }
0xa9: {  	v50 =	vld [tilespmem:$0x470];
	v49 =	vmul.f32 $1.200000000e+01, v36;
	v3 =	vadd.f32 $-6.000000000e+00, v3;
	[tilespmem:$0x480] =	vst v61  }
0xaa: {  	v51 =	vld [tilespmem:$0x490];
	v2 =	vmul.f32 $1.200000000e+01, v42;
	v6 =	vadd.f32 $-6.000000000e+00, v6;
	[tilespmem:$0x3D0] =	vst v44  }
0xab: {  	v53 =	vld [tilespmem:$0x440];
	v7 =	vmul.f32 $1.200000000e+01, v43;
	v1 =	vadd.f32 $-6.000000000e+00, v49;
	[tilespmem:$0x3E0] =	vst v3  }
0xac: {  	v54 =	vld [tilespmem:$0x450];
	v5 =	vmul.f32 $1.200000000e+01, v46;
	v2 =	vadd.f32 $-6.000000000e+00, v2;
	[tilespmem:$0x290] =	vst v6  }
0xad: {  	v56 =	vld [tilespmem:$0x400];
	v0 =	vmul.f32 $1.200000000e+01, v47;
	v7 =	vadd.f32 $-6.000000000e+00, v7;
	[tilespmem:$0x2A0] =	vst v1  }
0xae: {  	v55 =	vmul.f32 $1.200000000e+01, v50;
	v5 =	vadd.f32 $-6.000000000e+00, v5;
	[tilespmem:$0x430] =	vst v2  }
0xaf: {  	v0 =	vadd.f32 $-6.000000000e+00, v0;
	[tilespmem:$0x410] =	vst v7;
	v3 =	vmul.f32 $1.200000000e+01, v51  }
0xb0: {  	[tilespmem:$0x3F0] =	vst v5;
	v2 =	vadd.f32 $-6.000000000e+00, v55;
	v6 =	vmul.f32 $1.200000000e+01, v53  }
0xb1: {  	v1 =	vmul.f32 $1.200000000e+01, v54;
	[tilespmem:$0x420] =	vst v0;
	v60 =	vadd.f32 $-6.000000000e+00, v3  }
0xb2: {  	v62 =	vmul.f32 $1.200000000e+01, v56;
	[tilespmem:$0x470] =	vst v2;
	v63 =	vadd.f32 $-6.000000000e+00, v6  }
0xb3: {  	v1 =	vadd.f32 $-6.000000000e+00, v1;
	[tilespmem:$0x490] =	vst v60  }
0xb4: {  	v0 =	vadd.f32 $-6.000000000e+00, v62;
	[tilespmem:$0x440] =	vst v63  }
0xb5: {  	[tilespmem:$0x450] =	vst v1  }
0xb6: {  	[tilespmem:$0x400] =	vst v0  }
0xb7: {  	[hbm4b:s4+s5] =	stream.strided.scatter [tilespmem:s2], [sflag:$0x2], $0x280, s7, s5, $0x38;
	[tilespmem:$0x500] =	vst v63  }
0xb8: {  	_ =	swait.ge [sflag:s6], $0x280  }
0xb9: {  	[sflag:s6] =	ssyncset.done $0x0  }
0xba: {  	[sflag:s6] =	ssyncadd.s32 $0xFFFFFD80  }
0xbb: {  	_ =	sfence.sel $0x180000  }
0xbc: {  	[bflag:$0x0] =	sbarrier.arrive $0xFFFF  }
0xbd: {  	p0 =	sne.s32 s0, $0x0;
	_ =	strace $0x90000047  }
0xbe: {  	s0 =	sadd.s32 @!p0 $0x100000, s1;
	[bflag:$0x2] =	sbarrier.arrive $0xFFFF  }
0xbf: {  	[sflag:s0] =	ssyncadd.tile.s32 @!p0 $0x1;
	_ =	shalt  }
.Lfunc_end2:
_tile_overlayer_lowered:
.L_overlay_start_2:
0xc0: {  	(tag) =	ssettag $0x2  }
0xc1: {  	s0 =	rddreg [dreg:$0x0];
	s2 =	stileid.u32  }
0xc2: {  	s1 =	rddreg [dreg:$0x1];
	p0 =	sne.s32 s2, $0x0  }
0xc3: {  	s3 =	rddreg [dreg:$0x2];
	[bflag:$0x3] =	sbarrier.arrive $0xFFFF;
	s2 =	simm.s32 @!p0 $0x1C02  }
0xc4: {  	[timem:s3], [sflag:s2] =	dma.local @!p0 [hbm:s0], s1  }
0xc5: {  	s0 =	simm.s32 @!p0 $0x2  }
0xc6: {  	_ =	swait.ge @!p0 [sflag:s0], s1  }
0xc7: {  	s1 =	ssub.s32 @!p0 $0x0, s1;
	[sflag:s0] =	ssyncset.done @!p0 $0x0  }
0xc8: {  	[sflag:s0] =	ssyncadd.s32 @!p0 s1  }
0xc9: {  	[bflag:$0x3] =	sbarrier.arrive $0xFFFF  }
0xca: {  	_ =	shalt  }

</sc_bundles>
